<compile_context>
chip_gen: v7x
topology: tpu7x:2x2x1
jax: 0.10.2.dev20260603
libtpu: 0.0.44.dev20260713+nightly
codegen_flags: <defaults>
</compile_context>

<pallas_src>
import functools

import jax
import jax.numpy as jnp
from jax import lax
from jax.experimental import pallas as pl
from jax.experimental.pallas import tpu as pltpu
from jax.experimental.pallas import tpu_sc as plsc

N = 50000
E = 800000
D = 64
K1 = 25000
K2 = 12500
NP = 50176
NBLK = 8
BLK = NP // NBLK
SROW = NP // 128

_SC_NC = 2
_SC_NS = 16
_EB = 512
_EPW = 98 * _EB
_EP = _SC_NS * _EPW


def _segsum64_sc(vals2, row, col, zeros32):
    mesh = plsc.VectorSubcoreMesh(core_axis_name="c", subcore_axis_name="s")

    @functools.partial(
        pl.kernel, mesh=mesh,
        compiler_params=pltpu.CompilerParams(use_tc_tiling_on_sc=False),
        out_type=jax.ShapeDtypeStruct((_SC_NC, NP, 32), jnp.float32),
        scratch_types=[
            pltpu.VMEM((_EB,), jnp.int32),
            pltpu.VMEM((_EB,), jnp.int32),
            pltpu.VMEM((_EB, 32), jnp.float32),
            pltpu.VMEM_SHARED((NP, 32), jnp.float32),
            pltpu.SemaphoreType.DMA,
        ])
    def k(vals_hbm, row_hbm, col_hbm, zeros_hbm, out_hbm, ridx, cidx, msg,
          acc_sh, sem):
        c = lax.axis_index("c")
        s = lax.axis_index("s")
        rows_per = NP // _SC_NS
        rbase = s * rows_per
        pltpu.sync_copy(zeros_hbm.at[pl.ds(rbase, rows_per)],
                        acc_sh.at[pl.ds(rbase, rows_per)])
        plsc.subcore_barrier()
        ebase = s * _EPW

        def win(j, carry):
            off = ebase + j * _EB
            pltpu.sync_copy(row_hbm.at[pl.ds(off, _EB)], ridx)
            pltpu.sync_copy(col_hbm.at[pl.ds(off, _EB)], cidx)

            def fix(i, carry2):
                v = ridx[pl.ds(i * 16, 16)]
                ridx[pl.ds(i * 16, 16)] = v * 2 + c
                return carry2

            lax.fori_loop(0, _EB // 16, fix, 0)
            pltpu.sync_copy(vals_hbm.at[ridx], msg)
            pltpu.sync_copy(msg, acc_sh.at[cidx], add=True)
            return carry

        lax.fori_loop(0, _EPW // _EB, win, 0)
        plsc.subcore_barrier()
        pltpu.sync_copy(acc_sh.at[pl.ds(rbase, rows_per)],
                        out_hbm.at[c].at[pl.ds(rbase, rows_per)])

    return k(vals2, row, col, zeros32)


def _segsum64(vals, rowp, colp, zeros32):
    vals2 = vals.reshape(2 * NP, 32)
    halves = _segsum64_sc(vals2, rowp, colp, zeros32)
    return jnp.concatenate([halves[0], halves[1]], axis=1)


def _gin_mlp_kernel(eps, x_ref, agg_ref, wa_ref, ba_ref, wb_ref, bb_ref,
                    pv_ref, h_ref, r_ref):
    z = eps * x_ref[...] + agg_ref[...]
    a = jnp.maximum(jnp.dot(z, wa_ref[...],
                            preferred_element_type=jnp.float32)
                    + ba_ref[...], 0.0)
    h = jnp.dot(a, wb_ref[...], preferred_element_type=jnp.float32) \
        + bb_ref[...]
    h_ref[...] = h
    r_ref[...] = jnp.dot(h, pv_ref[...], preferred_element_type=jnp.float32)


def _gin_mlp(eps, x, agg, wa, ba, wb, bb, pvec):
    dout = wb.shape[1]
    return pl.pallas_call(
        functools.partial(_gin_mlp_kernel, eps),
        grid=(NBLK,),
        in_specs=[pl.BlockSpec((BLK, 64), lambda i: (i, 0)),
                  pl.BlockSpec((BLK, 64), lambda i: (i, 0)),
                  pl.BlockSpec((64, 8), lambda i: (0, 0)),
                  pl.BlockSpec((1, 8), lambda i: (0, 0)),
                  pl.BlockSpec((8, dout), lambda i: (0, 0)),
                  pl.BlockSpec((1, dout), lambda i: (0, 0)),
                  pl.BlockSpec((dout, 1), lambda i: (0, 0))],
        out_specs=[pl.BlockSpec((BLK, dout), lambda i: (i, 0)),
                   pl.BlockSpec((BLK, 1), lambda i: (i, 0))],
        out_shape=[jax.ShapeDtypeStruct((NP, dout), jnp.float32),
                   jax.ShapeDtypeStruct((NP, 1), jnp.float32)],
    )(x, agg, wa, ba, wb, bb, pvec)


def _count_ge(bits, within, cand):
    return jnp.sum(jnp.where(within & (bits >= cand), 1, 0).astype(jnp.int32))


def _value_bitsearch(bits, within, k):
    def body(i, p):
        cand = p | (1 << (30 - i))
        return jnp.where(_count_ge(bits, within, cand) >= k, cand, p)
    return lax.fori_loop(0, 31, body, jnp.int32(0))


def _index_bitsearch(eq, idx, need):
    def body(i, q):
        cand = q | (1 << (15 - i))
        cnt = jnp.sum(jnp.where(eq & (idx < cand), 1, 0).astype(jnp.int32))
        return jnp.where(cnt < need, cand, q)
    return lax.fori_loop(0, 16, body, jnp.int32(0))


def _flat_idx():
    r = lax.broadcasted_iota(jnp.int32, (SROW, 128), 0)
    l = lax.broadcasted_iota(jnp.int32, (SROW, 128), 1)
    return r * 128 + l


def _select1_kernel(s_ref, g_ref, m_ref):
    s = s_ref[...]
    bits = jax.lax.bitcast_convert_type(s, jnp.int32)
    idx = _flat_idx()
    within = idx < N
    t = _value_bitsearch(bits, within, K1)
    gt = within & (bits > t)
    eq = within & (bits == t)
    need = K1 - jnp.sum(gt.astype(jnp.int32))
    q = _index_bitsearch(eq, idx, need)
    sel = gt | (eq & (idx <= q))
    m_ref[...] = sel.astype(jnp.float32)
    g_ref[...] = jnp.where(sel, s, 0.0)


def _select1(s1r):
    return pl.pallas_call(
        _select1_kernel,
        in_specs=[pl.BlockSpec((SROW, 128), lambda: (0, 0))],
        out_specs=[pl.BlockSpec((SROW, 128), lambda: (0, 0)),
                   pl.BlockSpec((SROW, 128), lambda: (0, 0))],
        out_shape=[jax.ShapeDtypeStruct((SROW, 128), jnp.float32),
                   jax.ShapeDtypeStruct((SROW, 128), jnp.float32)],
    )(s1r)


def _select2_kernel(s2_ref, s1_ref, m1_ref, g_ref, m_ref):
    s2 = s2_ref[...]
    m1 = m1_ref[...] > 0.0
    bits2 = jnp.where(m1, jax.lax.bitcast_convert_type(s2, jnp.int32), -1)
    bits1 = jax.lax.bitcast_convert_type(s1_ref[...], jnp.int32)
    idx = _flat_idx()
    allm = jnp.ones_like(m1)
    t2 = _value_bitsearch(bits2, allm, K2)
    gt2 = bits2 > t2
    eq2 = bits2 == t2
    need2 = K2 - jnp.sum(gt2.astype(jnp.int32))
    t1 = _value_bitsearch(bits1, eq2, need2)
    gt1 = eq2 & (bits1 > t1)
    eq21 = eq2 & (bits1 == t1)
    need1 = need2 - jnp.sum(gt1.astype(jnp.int32))
    q = _index_bitsearch(eq21, idx, need1)
    sel = gt2 | gt1 | (eq21 & (idx <= q))
    m_ref[...] = sel.astype(jnp.float32)
    g_ref[...] = jnp.where(sel, s2, 0.0)


def _select2(s2r, s1r, m1r):
    return pl.pallas_call(
        _select2_kernel,
        in_specs=[pl.BlockSpec((SROW, 128), lambda: (0, 0))] * 3,
        out_specs=[pl.BlockSpec((SROW, 128), lambda: (0, 0)),
                   pl.BlockSpec((SROW, 128), lambda: (0, 0))],
        out_shape=[jax.ShapeDtypeStruct((SROW, 128), jnp.float32),
                   jax.ShapeDtypeStruct((SROW, 128), jnp.float32)],
    )(s2r, s1r, m1r)


def _pool_kernel(kdiv, h_ref, g_ref, m_ref, v_ref, x_ref, accmax, accsum):
    i = pl.program_id(0)
    h = h_ref[...]
    g = g_ref[...]
    m = m_ref[...] > 0.0
    v = h * g
    v_ref[...] = v
    vmax = jnp.max(jnp.where(m, v, -jnp.inf), axis=0, keepdims=True)
    vsum = jnp.sum(v, axis=0, keepdims=True)

    @pl.when(i == 0)
    def _():
        accmax[...] = vmax
        accsum[...] = vsum

    @pl.when(i > 0)
    def _():
        accmax[...] = jnp.maximum(accmax[...], vmax)
        accsum[...] = accsum[...] + vsum

    @pl.when(i == NBLK - 1)
    def _():
        x_ref[...] = jnp.concatenate(
            [accmax[...], accsum[...] / kdiv], axis=1)


def _pool(h, gcol, mcol, kdiv):
    dh = h.shape[1]
    return pl.pallas_call(
        functools.partial(_pool_kernel, kdiv),
        grid=(NBLK,),
        in_specs=[pl.BlockSpec((BLK, dh), lambda i: (i, 0)),
                  pl.BlockSpec((BLK, 1), lambda i: (i, 0)),
                  pl.BlockSpec((BLK, 1), lambda i: (i, 0))],
        out_specs=[pl.BlockSpec((BLK, dh), lambda i: (i, 0)),
                   pl.BlockSpec((1, 2 * dh), lambda i: (0, 0))],
        out_shape=[jax.ShapeDtypeStruct((NP, dh), jnp.float32),
                   jax.ShapeDtypeStruct((1, 2 * dh), jnp.float32)],
        scratch_shapes=[pltpu.VMEM((1, dh), jnp.float32),
                        pltpu.VMEM((1, dh), jnp.float32)],
    )(h, gcol, mcol)


def _tail_kernel(h_ref, g_ref, m_ref, x1_ref, w1_ref, w2_ref, w3_ref,
                 fcb_ref, hw_ref, hb_ref, ow_ref, ob_ref,
                 o1_ref, o2_ref, o3_ref, accmax, accsum):
    i = pl.program_id(0)
    h = h_ref[...]
    g = g_ref[...]
    m = m_ref[...] > 0.0
    v = h * g
    vmax = jnp.max(jnp.where(m, v, -jnp.inf), axis=0, keepdims=True)
    vsum = jnp.sum(v, axis=0, keepdims=True)

    @pl.when(i == 0)
    def _():
        accmax[...] = vmax
        accsum[...] = vsum

    @pl.when(i > 0)
    def _():
        accmax[...] = jnp.maximum(accmax[...], vmax)
        accsum[...] = accsum[...] + vsum

    @pl.when(i == NBLK - 1)
    def _():
        x2max = accmax[...]
        x2mean = accsum[...] / K2
        ft = (jnp.dot(x1_ref[...], w1_ref[...])
              + jnp.dot(x2max, w2_ref[...])
              + jnp.dot(x2mean, w3_ref[...]) + fcb_ref[...])
        ft = jnp.maximum(ft, 0.0)
        for j, o_ref in enumerate((o1_ref, o2_ref, o3_ref)):
            hh = jnp.maximum(
                jnp.dot(ft, hw_ref[j]) + hb_ref[j], 0.0)
            o = jnp.dot(hh, ow_ref[j]) + ob_ref[j, 0, 0]
            if j == 0:
                o = 1.0 / (1.0 + jnp.exp(-o))
            o_ref[...] = o


def _tail(h2, g2c, m2c, x1, w1, w2, w3, fcb, hw, hb, ow, ob):
    return pl.pallas_call(
        _tail_kernel,
        grid=(NBLK,),
        in_specs=[pl.BlockSpec((BLK, 128), lambda i: (i, 0)),
                  pl.BlockSpec((BLK, 1), lambda i: (i, 0)),
                  pl.BlockSpec((BLK, 1), lambda i: (i, 0)),
                  pl.BlockSpec((1, 128), lambda i: (0, 0)),
                  pl.BlockSpec((128, 64), lambda i: (0, 0)),
                  pl.BlockSpec((128, 64), lambda i: (0, 0)),
                  pl.BlockSpec((128, 64), lambda i: (0, 0)),
                  pl.BlockSpec((1, 64), lambda i: (0, 0)),
                  pl.BlockSpec((3, 64, 128), lambda i: (0, 0, 0)),
                  pl.BlockSpec((3, 1, 128), lambda i: (0, 0, 0)),
                  pl.BlockSpec((3, 128, 1), lambda i: (0, 0, 0)),
                  pl.BlockSpec((3, 1, 1), lambda i: (0, 0, 0))],
        out_specs=[pl.BlockSpec((1, 1), lambda i: (0, 0))] * 3,
        out_shape=[jax.ShapeDtypeStruct((1, 1), jnp.float32)] * 3,
        scratch_shapes=[pltpu.VMEM((1, 128), jnp.float32),
                        pltpu.VMEM((1, 128), jnp.float32)],
    )(h2, g2c, m2c, x1, w1, w2, w3, fcb, hw, hb, ow, ob)


def kernel(x, edge_index, batch, edge_attr, pos, params):
    p = params
    rowp = jnp.pad(edge_index[0], (0, _EP - E), constant_values=N)
    colp = jnp.pad(edge_index[1], (0, _EP - E), constant_values=N)
    xp = jnp.pad(x, ((0, NP - N), (0, 0)))
    zeros32 = jnp.zeros((NP, 32), jnp.float32)

    agg1 = _segsum64(xp, rowp, colp, zeros32)
    h1, r1 = _gin_mlp(65.0, xp, agg1, p['w1a'], p['b1a'][None, :],
                      p['w1b'], p['b1b'][None, :], p['p1'][:, None])
    s1 = jax.nn.sigmoid(r1 / jnp.linalg.norm(p['p1']))
    s1r = s1.reshape(SROW, 128)

    g1r, m1r = _select1(s1r)
    g1c = g1r.reshape(NP, 1)
    m1c = m1r.reshape(NP, 1)
    v1, x1 = _pool(h1, g1c, m1c, float(K1))

    agg2 = _segsum64(v1, rowp, colp, zeros32)
    w2b = jnp.pad(p['w2b'], ((0, 0), (0, 28)))
    b2b = jnp.pad(p['b2b'], (0, 28))
    p2 = jnp.pad(p['p2'], (0, 28))
    h2, r2 = _gin_mlp(101.0, v1, agg2, p['w2a'], p['b2a'][None, :],
                      w2b, b2b[None, :], p2[:, None])
    s2 = jax.nn.sigmoid(r2 / jnp.linalg.norm(p['p2']))
    s2r = s2.reshape(SROW, 128)

    g2r, m2r = _select2(s2r, s1r, m1r)
    g2c = g2r.reshape(NP, 1)
    m2c = m2r.reshape(NP, 1)

    fcw = p['fcw']
    w1 = fcw[0:128]
    w2 = jnp.pad(fcw[128:228], ((0, 28), (0, 0)))
    w3 = jnp.pad(fcw[228:328], ((0, 28), (0, 0)))
    hw = jnp.stack([jnp.pad(p['h%dw1' % j], ((0, 0), (0, 116)))
                    for j in range(3)])
    hb = jnp.stack([jnp.pad(p['h%db1' % j], (0, 116))[None, :]
                    for j in range(3)])
    ow = jnp.stack([jnp.pad(p['h%dw2' % j], ((0, 116), (0, 0)))
                    for j in range(3)])
    ob = jnp.stack([p['h%db2' % j][None, :] for j in range(3)])

    o1, o2, o3 = _tail(h2, g2c, m2c, x1, w1, w2, w3, p['fcb'][None, :],
                       hw, hb, ow, ob)
    return (o1, o2, o3)

# --- scband reference (transcript-rebuilt; emitter-appended) ---
"""Pipeline reference for scband-ginatt-net-54065048322602 (READ-ONLY COPY).

The authoritative reference and input builder live on the scoring server;
editing this copy changes nothing except your own understanding.
"""

import jax, jax.numpy as jnp
import numpy as np

N = 50000
E = 800000
D = 64
K1 = 25000  # ceil(0.5 * N)
K2 = 12500  # ceil(0.5 * K1)


def _init_params(key):
    ks = jax.random.split(key, 16)
    def g(k, shape, fan_in):
        return jax.random.normal(k, shape, jnp.float32) / np.sqrt(fan_in)
    p = {}
    p['w1a'] = g(ks[0], (D, 8), D); p['b1a'] = jnp.zeros((8,), jnp.float32)
    p['w1b'] = g(ks[1], (8, D), 8); p['b1b'] = jnp.zeros((D,), jnp.float32)
    p['p1'] = g(ks[2], (D,), D)
    p['w2a'] = g(ks[3], (D, 8), D); p['b2a'] = jnp.zeros((8,), jnp.float32)
    p['w2b'] = g(ks[4], (8, 100), 8); p['b2b'] = jnp.zeros((100,), jnp.float32)
    p['p2'] = g(ks[5], (100,), 100)
    p['fcw'] = g(ks[6], (328, 64), 328); p['fcb'] = jnp.zeros((64,), jnp.float32)
    for i in range(3):
        p['h%dw1' % i] = g(ks[7 + 2 * i], (64, 12), 64); p['h%db1' % i] = jnp.zeros((12,), jnp.float32)
        p['h%dw2' % i] = g(ks[8 + 2 * i], (12, 1), 12); p['h%db2' % i] = jnp.zeros((1,), jnp.float32)
    return p


def setup_inputs(seed: int = 0):
    key = jax.random.key(seed)
    ks = jax.random.split(key, 8)
    x = jax.random.normal(ks[0], (N, D), jnp.float32)
    edge_index = jax.random.randint(ks[1], (2, E), 0, N, dtype=jnp.int32)
    batch = jnp.zeros((N,), jnp.int32)  # single graph
    edge_attr = jax.random.normal(ks[2], (E, 4), jnp.float32)
    pos = jax.random.normal(ks[3], (N, 3), jnp.float32)
    params = _init_params(ks[4])
    return {"x": x, "edge_index": edge_index, "batch": batch, "edge_attr": edge_attr, "pos": pos, "params": params}


def _gin(x, row, col, valid, w_a, b_a, w_b, b_b, eps, n):
    # GINConv: out = nn((1+eps)*x + sum_{j->i} x_j); note eps is set to the
    # hidden dim (64 / 100) by the original constructor (GINConv(nn, dim)).
    msg = x[row] * valid[:, None].astype(x.dtype)
    agg = jax.ops.segment_sum(msg, col, num_segments=n)
    z = (1.0 + eps) * x + agg
    h = jnp.maximum(z @ w_a + b_a, 0.0)
    return h @ w_b + b_b


def _topk_pool(x, row, col, valid, w, k):
    # TopKPooling(ratio=0.5, multiplier=1, nonlinearity=sigmoid), single graph.
    n = x.shape[0]
    score = jax.nn.sigmoid((x @ w) / jnp.linalg.norm(w))
    vals, perm = jax.lax.top_k(score, k)
    x_new = x[perm] * vals[:, None]
    mask = jnp.zeros((n,), bool).at[perm].set(True)
    idx = jnp.zeros((n,), jnp.int32).at[perm].set(jnp.arange(k, dtype=jnp.int32))
    valid_new = valid & mask[row] & mask[col]
    return x_new, idx[row], idx[col], valid_new, perm


def reference(x, edge_index, batch, edge_attr, pos, params):
    p = params
    row, col = edge_index[0], edge_index[1]
    valid = jnp.ones((row.shape[0],), bool)
    h = _gin(x, row, col, valid, p['w1a'], p['b1a'], p['w1b'], p['b1b'], 64.0, N)
    h, row, col, valid, perm = _topk_pool(h, row, col, valid, p['p1'], K1)
    pos1 = pos[perm]  # pos = pos[perm] in original; unused downstream
    x1 = jnp.concatenate([h.max(axis=0, keepdims=True), h.mean(axis=0, keepdims=True)], axis=1)
    h = _gin(h, row, col, valid, p['w2a'], p['b2a'], p['w2b'], p['b2b'], 100.0, K1)
    h, row, col, valid, perm = _topk_pool(h, row, col, valid, p['p2'], K2)
    x2 = jnp.concatenate([h.max(axis=0, keepdims=True), h.mean(axis=0, keepdims=True)], axis=1)
    feat = jnp.concatenate([x1, x2], axis=1)  # [1, 328]
    feat = jnp.maximum(feat @ p['fcw'] + p['fcb'], 0.0)
    outs = []
    for i in range(3):
        hh = jnp.maximum(feat @ p['h%dw1' % i] + p['h%db1' % i], 0.0)  # Dropout = identity (eval)
        outs.append(hh @ p['h%dw2' % i] + p['h%db2' % i])
    out1 = jax.nn.sigmoid(outs[0])
    return (out1, outs[1], outs[2])

if __name__ == "__main__":
    import jax
    _d = setup_inputs()
    print(jax.jit(kernel)(*tuple(_d.values())))

</pallas_src>

<mosaic_0001>
#map = affine_map<(d0, d1) -> (0, 0)>
#map1 = affine_map<(d0, d1) -> (0)>
#map2 = affine_map<(d0, d1) -> (0, 0, 0)>
module attributes {stable_mosaic.version = 14 : i64} {
  func.func @k(%arg0: i32, %arg1: i32, %arg2: memref<100352x32xf32, #tpu.memory_space<hbm>>, %arg3: memref<802816xi32, #tpu.memory_space<hbm>>, %arg4: memref<802816xi32, #tpu.memory_space<hbm>>, %arg5: memref<50176x32xf32, #tpu.memory_space<hbm>>, %arg6: memref<2x50176x32xf32, #tpu.memory_space<hbm>>, %arg7: memref<512xi32, #tpu.memory_space<vmem>>, %arg8: memref<512xi32, #tpu.memory_space<vmem>>, %arg9: memref<512x32xf32, #tpu.memory_space<vmem>>, %arg10: memref<50176x32xf32, #tpu.memory_space<vmem_shared>>, %arg11: memref<!tpu.dma_semaphore, #tpu.memory_space<semaphore_mem>>) attributes {dimension_semantics = [#tpu.dimension_semantics<core_parallel>, #tpu.dimension_semantics<subcore_parallel>], iteration_bounds = array<i64: 2, 16>, scalar_prefetch = 0 : i64, scratch_operands = 5 : i64, tpu.core_type = #tpu.core_type<sc_vector_subcore>, window_params = [{transform_indices = #map}, {transform_indices = #map1}, {transform_indices = #map1}, {transform_indices = #map}, {transform_indices = #map2}]} {
    %mul3A = arith.constant 3136 : i32
    %mul3A_0 = arith.muli %arg1, %mul3A : i32
    "tpu.region"() ({
      %run_scoped3A = tpu.sem_alloc : memref<!tpu.dma_semaphore, #tpu.memory_space<semaphore_mem>>
      %dma_start3A = arith.constant 0 : i32
      %dma_start3A_9 = tpu.memref_slice %arg10[%mul3A_0, %dma_start3A] : memref<50176x32xf32, #tpu.memory_space<vmem_shared>> -> memref<3136x32xf32, #tpu.memory_space<vmem_shared>>
      %dma_start3A_10 = arith.constant 0 : i32
      %dma_start3A_11 = tpu.memref_slice %arg5[%mul3A_0, %dma_start3A_10] : memref<50176x32xf32, #tpu.memory_space<hbm>> -> memref<3136x32xf32, #tpu.memory_space<hbm>>
      tpu.enqueue_dma source(%dma_start3A_11 : memref<3136x32xf32, #tpu.memory_space<hbm>>) target(%dma_start3A_9 : memref<3136x32xf32, #tpu.memory_space<vmem_shared>>) target_semaphore(%run_scoped3A : memref<!tpu.dma_semaphore, #tpu.memory_space<semaphore_mem>>)
      %dma_wait3A = arith.constant 0 : i32
      %dma_wait3A_12 = tpu.memref_slice %arg10[%mul3A_0, %dma_wait3A] : memref<50176x32xf32, #tpu.memory_space<vmem_shared>> -> memref<3136x32xf32, #tpu.memory_space<vmem_shared>>
      %dma_wait3A_13 = arith.constant 0 : i32
      %dma_wait3A_14 = tpu.memref_slice %arg5[%mul3A_0, %dma_wait3A_13] : memref<50176x32xf32, #tpu.memory_space<hbm>> -> memref<3136x32xf32, #tpu.memory_space<hbm>>
      tpu.wait_dma2 semaphore(%run_scoped3A : memref<!tpu.dma_semaphore, #tpu.memory_space<semaphore_mem>>) src(%dma_wait3A_14 : memref<3136x32xf32, #tpu.memory_space<hbm>>) dst(%dma_wait3A_12 : memref<3136x32xf32, #tpu.memory_space<vmem_shared>>)
      tpu.yield
    }) : () -> ()
    %barrier3A = arith.constant 0 : index
    tpu.barrier barrier_id(%barrier3A)
    %mul3A_1 = arith.constant 50176 : i32
    %mul3A_2 = arith.muli %arg1, %mul3A_1 : i32
    %scan3A = arith.constant 0 : i32
    %scan3A_3 = arith.constant 0 : i32
    %scan3A_4 = arith.constant 98 : i32
    %scan3A_5 = arith.addi %scan3A_3, %scan3A_4 : i32
    %scan3A_6 = arith.constant 1 : i32
    scf.for %scan3A_9 = %scan3A_3 to %scan3A_5 step %scan3A_6  : i32 {
      %mul3A_10 = arith.constant 512 : i32
      %mul3A_11 = arith.muli %scan3A_9, %mul3A_10 : i32
      %add3A = arith.addi %mul3A_2, %mul3A_11 : i32
      "tpu.region"() ({
        %run_scoped3A = tpu.sem_alloc : memref<!tpu.dma_semaphore, #tpu.memory_space<semaphore_mem>>
        %dma_start3A = tpu.memref_slice %arg3[%add3A] : memref<802816xi32, #tpu.memory_space<hbm>> -> memref<512xi32, #tpu.memory_space<hbm>>
        %dma_start3A_18 = tpu.memref_slice %arg3[%add3A] : memref<802816xi32, #tpu.memory_space<hbm>> -> memref<512xi32, #tpu.memory_space<hbm>>
        tpu.enqueue_dma source(%dma_start3A_18 : memref<512xi32, #tpu.memory_space<hbm>>) target(%arg7 : memref<512xi32, #tpu.memory_space<vmem>>) target_semaphore(%run_scoped3A : memref<!tpu.dma_semaphore, #tpu.memory_space<semaphore_mem>>)
        %dma_wait3A = tpu.memref_slice %arg3[%add3A] : memref<802816xi32, #tpu.memory_space<hbm>> -> memref<512xi32, #tpu.memory_space<hbm>>
        %dma_wait3A_19 = tpu.memref_slice %arg3[%add3A] : memref<802816xi32, #tpu.memory_space<hbm>> -> memref<512xi32, #tpu.memory_space<hbm>>
        tpu.wait_dma2 semaphore(%run_scoped3A : memref<!tpu.dma_semaphore, #tpu.memory_space<semaphore_mem>>) src(%dma_wait3A_19 : memref<512xi32, #tpu.memory_space<hbm>>) dst(%arg7 : memref<512xi32, #tpu.memory_space<vmem>>)
        tpu.yield
      }) : () -> ()
      "tpu.region"() ({
        %run_scoped3A = tpu.sem_alloc : memref<!tpu.dma_semaphore, #tpu.memory_space<semaphore_mem>>
        %dma_start3A = tpu.memref_slice %arg4[%add3A] : memref<802816xi32, #tpu.memory_space<hbm>> -> memref<512xi32, #tpu.memory_space<hbm>>
        %dma_start3A_18 = tpu.memref_slice %arg4[%add3A] : memref<802816xi32, #tpu.memory_space<hbm>> -> memref<512xi32, #tpu.memory_space<hbm>>
        tpu.enqueue_dma source(%dma_start3A_18 : memref<512xi32, #tpu.memory_space<hbm>>) target(%arg8 : memref<512xi32, #tpu.memory_space<vmem>>) target_semaphore(%run_scoped3A : memref<!tpu.dma_semaphore, #tpu.memory_space<semaphore_mem>>)
        %dma_wait3A = tpu.memref_slice %arg4[%add3A] : memref<802816xi32, #tpu.memory_space<hbm>> -> memref<512xi32, #tpu.memory_space<hbm>>
        %dma_wait3A_19 = tpu.memref_slice %arg4[%add3A] : memref<802816xi32, #tpu.memory_space<hbm>> -> memref<512xi32, #tpu.memory_space<hbm>>
        tpu.wait_dma2 semaphore(%run_scoped3A : memref<!tpu.dma_semaphore, #tpu.memory_space<semaphore_mem>>) src(%dma_wait3A_19 : memref<512xi32, #tpu.memory_space<hbm>>) dst(%arg8 : memref<512xi32, #tpu.memory_space<vmem>>)
        tpu.yield
      }) : () -> ()
      %scan3A_12 = arith.constant 0 : i32
      %scan3A_13 = arith.constant 0 : i32
      %scan3A_14 = arith.constant 32 : i32
      %scan3A_15 = arith.addi %scan3A_13, %scan3A_14 : i32
      %scan3A_16 = arith.constant 1 : i32
      scf.for %scan3A_18 = %scan3A_13 to %scan3A_15 step %scan3A_16  : i32 {
        %mul3A_19 = arith.constant 16 : i32
        %mul3A_20 = arith.muli %scan3A_18, %mul3A_19 : i32
        %get3A = arith.index_cast %mul3A_20 : i32 to index
        %get3A_21 = tpu.vector_load %arg7[%get3A] {strides = array<i32>} : memref<512xi32, #tpu.memory_space<vmem>>, vector<16xi32>,
        %get3A_22 = vector.shape_cast %get3A_21 : vector<16xi32> to vector<16xi32>
        %mul3A_23 = arith.constant 2 : i32
        %mul3A_24 = vector.broadcast %mul3A_23 : i32 to vector<16xi32>
        %mul3A_25 = arith.muli %get3A_22, %mul3A_24 : vector<16xi32>
        %add3A_26 = vector.broadcast %arg0 : i32 to vector<16xi32>
        %add3A_27 = arith.addi %mul3A_25, %add3A_26 : vector<16xi32>
        %mul3A_28 = arith.constant 16 : i32
        %mul3A_29 = arith.muli %scan3A_18, %mul3A_28 : i32
        %swap3A = arith.index_cast %mul3A_29 : i32 to index
        %swap3A_30 = tpu.vector_load %arg7[%swap3A] {strides = array<i32>} : memref<512xi32, #tpu.memory_space<vmem>>, vector<16xi32>,
        %swap3A_31 = vector.shape_cast %swap3A_30 : vector<16xi32> to vector<16xi32>
        %swap3A_32 = vector.shape_cast %add3A_27 : vector<16xi32> to vector<16xi32>
        tpu.vector_store %arg7[%swap3A], %swap3A_32 {strides = array<i32>} : memref<512xi32, #tpu.memory_space<vmem>>, vector<16xi32>,
      }
      %scan3A_17 = arith.constant 32 : i32
      "tpu.region"() ({
        %run_scoped3A = tpu.sem_alloc : memref<!tpu.dma_semaphore, #tpu.memory_space<semaphore_mem>>
        %dma_start3A = arith.constant 0 : i32
        %dma_start3A_18 = arith.constant 0 : i32
        %dma_start3A_19 = tpu.memref_slice %arg2[%dma_start3A, %dma_start3A_18] : memref<100352x32xf32, #tpu.memory_space<hbm>> -> memref<100352x32xf32, #tpu.memory_space<hbm>>
        tpu.enqueue_indirect_dma source(%dma_start3A_19 : memref<100352x32xf32, #tpu.memory_space<hbm>>) target(%arg9 : memref<512x32xf32, #tpu.memory_space<vmem>>) offsets(%arg7 : memref<512xi32, #tpu.memory_space<vmem>>) semaphore(%run_scoped3A : memref<!tpu.dma_semaphore, #tpu.memory_space<semaphore_mem>>)
        %dma_wait3A = arith.constant 0 : i32
        %dma_wait3A_20 = arith.constant 0 : i32
        %dma_wait3A_21 = tpu.memref_slice %arg2[%dma_wait3A, %dma_wait3A_20] : memref<100352x32xf32, #tpu.memory_space<hbm>> -> memref<100352x32xf32, #tpu.memory_space<hbm>>
        tpu.wait_indirect_dma semaphore(%run_scoped3A : memref<!tpu.dma_semaphore, #tpu.memory_space<semaphore_mem>>) src(%dma_wait3A_21 : memref<100352x32xf32, #tpu.memory_space<hbm>>) dst(%arg9 : memref<512x32xf32, #tpu.memory_space<vmem>>)
        tpu.yield
      }) : () -> ()
      "tpu.region"() ({
        %run_scoped3A = tpu.sem_alloc : memref<!tpu.dma_semaphore, #tpu.memory_space<semaphore_mem>>
        %dma_start3A = arith.constant 0 : i32
        %dma_start3A_18 = arith.constant 0 : i32
        %dma_start3A_19 = tpu.memref_slice %arg10[%dma_start3A, %dma_start3A_18] : memref<50176x32xf32, #tpu.memory_space<vmem_shared>> -> memref<50176x32xf32, #tpu.memory_space<vmem_shared>>
        tpu.enqueue_indirect_dma source(%arg9 : memref<512x32xf32, #tpu.memory_space<vmem>>) target(%dma_start3A_19 : memref<50176x32xf32, #tpu.memory_space<vmem_shared>>) offsets(%arg8 : memref<512xi32, #tpu.memory_space<vmem>>) semaphore(%run_scoped3A : memref<!tpu.dma_semaphore, #tpu.memory_space<semaphore_mem>>) {add = true}
        %dma_wait3A = arith.constant 0 : i32
        %dma_wait3A_20 = arith.constant 0 : i32
        %dma_wait3A_21 = tpu.memref_slice %arg10[%dma_wait3A, %dma_wait3A_20] : memref<50176x32xf32, #tpu.memory_space<vmem_shared>> -> memref<50176x32xf32, #tpu.memory_space<vmem_shared>>
        tpu.wait_indirect_dma semaphore(%run_scoped3A : memref<!tpu.dma_semaphore, #tpu.memory_space<semaphore_mem>>) src(%arg9 : memref<512x32xf32, #tpu.memory_space<vmem>>) dst(%dma_wait3A_21 : memref<50176x32xf32, #tpu.memory_space<vmem_shared>>)
        tpu.yield
      }) : () -> ()
    }
    %scan3A_7 = arith.constant 98 : i32
    %barrier3A_8 = arith.constant 0 : index
    tpu.barrier barrier_id(%barrier3A_8)
    "tpu.region"() ({
      %run_scoped3A = tpu.sem_alloc : memref<!tpu.dma_semaphore, #tpu.memory_space<semaphore_mem>>
      %dma_start3A = arith.constant 0 : i32
      %dma_start3A_9 = arith.constant 0 : i32
      %dma_start3A_10 = tpu.memref_slice %arg6[%arg0, %dma_start3A, %dma_start3A_9] : memref<2x50176x32xf32, #tpu.memory_space<hbm>> -> memref<1x50176x32xf32, #tpu.memory_space<hbm>>
      %dma_start3A_11 = tpu.memref_squeeze %dma_start3A_10 : memref<1x50176x32xf32, #tpu.memory_space<hbm>> -> memref<50176x32xf32, #tpu.memory_space<hbm>>
      %dma_start3A_12 = arith.constant 0 : i32
      %dma_start3A_13 = tpu.memref_slice %dma_start3A_11[%mul3A_0, %dma_start3A_12] : memref<50176x32xf32, #tpu.memory_space<hbm>> -> memref<3136x32xf32, #tpu.memory_space<hbm>>
      %dma_start3A_14 = arith.constant 0 : i32
      %dma_start3A_15 = tpu.memref_slice %arg10[%mul3A_0, %dma_start3A_14] : memref<50176x32xf32, #tpu.memory_space<vmem_shared>> -> memref<3136x32xf32, #tpu.memory_space<vmem_shared>>
      tpu.enqueue_dma source(%dma_start3A_15 : memref<3136x32xf32, #tpu.memory_space<vmem_shared>>) target(%dma_start3A_13 : memref<3136x32xf32, #tpu.memory_space<hbm>>) target_semaphore(%run_scoped3A : memref<!tpu.dma_semaphore, #tpu.memory_space<semaphore_mem>>)
      %dma_wait3A = arith.constant 0 : i32
      %dma_wait3A_16 = arith.constant 0 : i32
      %dma_wait3A_17 = tpu.memref_slice %arg6[%arg0, %dma_wait3A, %dma_wait3A_16] : memref<2x50176x32xf32, #tpu.memory_space<hbm>> -> memref<1x50176x32xf32, #tpu.memory_space<hbm>>
      %dma_wait3A_18 = tpu.memref_squeeze %dma_wait3A_17 : memref<1x50176x32xf32, #tpu.memory_space<hbm>> -> memref<50176x32xf32, #tpu.memory_space<hbm>>
      %dma_wait3A_19 = arith.constant 0 : i32
      %dma_wait3A_20 = tpu.memref_slice %dma_wait3A_18[%mul3A_0, %dma_wait3A_19] : memref<50176x32xf32, #tpu.memory_space<hbm>> -> memref<3136x32xf32, #tpu.memory_space<hbm>>
      %dma_wait3A_21 = arith.constant 0 : i32
      %dma_wait3A_22 = tpu.memref_slice %arg10[%mul3A_0, %dma_wait3A_21] : memref<50176x32xf32, #tpu.memory_space<vmem_shared>> -> memref<3136x32xf32, #tpu.memory_space<vmem_shared>>
      tpu.wait_dma2 semaphore(%run_scoped3A : memref<!tpu.dma_semaphore, #tpu.memory_space<semaphore_mem>>) src(%dma_wait3A_22 : memref<3136x32xf32, #tpu.memory_space<vmem_shared>>) dst(%dma_wait3A_20 : memref<3136x32xf32, #tpu.memory_space<hbm>>)
      tpu.yield
    }) : () -> ()
    return
  }
}

#map = affine_map<(d0, d1) -> (0, 0)>
#map1 = affine_map<(d0, d1) -> (0)>
#map2 = affine_map<(d0, d1) -> (0, 0, 0)>
module attributes {stable_mosaic.version = 14 : i64} {
  func.func @k(%arg0: i32, %arg1: i32, %arg2: memref<100352x32xf32, #tpu.memory_space<hbm>>, %arg3: memref<802816xi32, #tpu.memory_space<hbm>>, %arg4: memref<802816xi32, #tpu.memory_space<hbm>>, %arg5: memref<50176x32xf32, #tpu.memory_space<hbm>>, %arg6: memref<2x50176x32xf32, #tpu.memory_space<hbm>>, %arg7: memref<512xi32, #tpu.memory_space<vmem>>, %arg8: memref<512xi32, #tpu.memory_space<vmem>>, %arg9: memref<512x32xf32, #tpu.memory_space<vmem>>, %arg10: memref<50176x32xf32, #tpu.memory_space<vmem_shared>>, %arg11: memref<!tpu.dma_semaphore, #tpu.memory_space<semaphore_mem>>) attributes {dimension_semantics = [#tpu.dimension_semantics<core_parallel>, #tpu.dimension_semantics<subcore_parallel>], iteration_bounds = array<i64: 2, 16>, scalar_prefetch = 0 : i64, scratch_operands = 5 : i64, tpu.core_type = #tpu.core_type<sc_vector_subcore>, window_params = [{transform_indices = #map}, {transform_indices = #map1}, {transform_indices = #map1}, {transform_indices = #map}, {transform_indices = #map2}]} {
    %mul3A = arith.constant 3136 : i32
    %mul3A_0 = arith.muli %arg1, %mul3A : i32
    "tpu.region"() ({
      %run_scoped3A = tpu.sem_alloc : memref<!tpu.dma_semaphore, #tpu.memory_space<semaphore_mem>>
      %dma_start3A = arith.constant 0 : i32
      %dma_start3A_9 = tpu.memref_slice %arg10[%mul3A_0, %dma_start3A] : memref<50176x32xf32, #tpu.memory_space<vmem_shared>> -> memref<3136x32xf32, #tpu.memory_space<vmem_shared>>
      %dma_start3A_10 = arith.constant 0 : i32
      %dma_start3A_11 = tpu.memref_slice %arg5[%mul3A_0, %dma_start3A_10] : memref<50176x32xf32, #tpu.memory_space<hbm>> -> memref<3136x32xf32, #tpu.memory_space<hbm>>
      tpu.enqueue_dma source(%dma_start3A_11 : memref<3136x32xf32, #tpu.memory_space<hbm>>) target(%dma_start3A_9 : memref<3136x32xf32, #tpu.memory_space<vmem_shared>>) target_semaphore(%run_scoped3A : memref<!tpu.dma_semaphore, #tpu.memory_space<semaphore_mem>>)
      %dma_wait3A = arith.constant 0 : i32
      %dma_wait3A_12 = tpu.memref_slice %arg10[%mul3A_0, %dma_wait3A] : memref<50176x32xf32, #tpu.memory_space<vmem_shared>> -> memref<3136x32xf32, #tpu.memory_space<vmem_shared>>
      %dma_wait3A_13 = arith.constant 0 : i32
      %dma_wait3A_14 = tpu.memref_slice %arg5[%mul3A_0, %dma_wait3A_13] : memref<50176x32xf32, #tpu.memory_space<hbm>> -> memref<3136x32xf32, #tpu.memory_space<hbm>>
      tpu.wait_dma2 semaphore(%run_scoped3A : memref<!tpu.dma_semaphore, #tpu.memory_space<semaphore_mem>>) src(%dma_wait3A_14 : memref<3136x32xf32, #tpu.memory_space<hbm>>) dst(%dma_wait3A_12 : memref<3136x32xf32, #tpu.memory_space<vmem_shared>>)
      tpu.yield
    }) : () -> ()
    %barrier3A = arith.constant 0 : index
    tpu.barrier barrier_id(%barrier3A)
    %mul3A_1 = arith.constant 50176 : i32
    %mul3A_2 = arith.muli %arg1, %mul3A_1 : i32
    %scan3A = arith.constant 0 : i32
    %scan3A_3 = arith.constant 0 : i32
    %scan3A_4 = arith.constant 98 : i32
    %scan3A_5 = arith.addi %scan3A_3, %scan3A_4 : i32
    %scan3A_6 = arith.constant 1 : i32
    scf.for %scan3A_9 = %scan3A_3 to %scan3A_5 step %scan3A_6  : i32 {
      %mul3A_10 = arith.constant 512 : i32
      %mul3A_11 = arith.muli %scan3A_9, %mul3A_10 : i32
      %add3A = arith.addi %mul3A_2, %mul3A_11 : i32
      "tpu.region"() ({
        %run_scoped3A = tpu.sem_alloc : memref<!tpu.dma_semaphore, #tpu.memory_space<semaphore_mem>>
        %dma_start3A = tpu.memref_slice %arg3[%add3A] : memref<802816xi32, #tpu.memory_space<hbm>> -> memref<512xi32, #tpu.memory_space<hbm>>
        %dma_start3A_18 = tpu.memref_slice %arg3[%add3A] : memref<802816xi32, #tpu.memory_space<hbm>> -> memref<512xi32, #tpu.memory_space<hbm>>
        tpu.enqueue_dma source(%dma_start3A_18 : memref<512xi32, #tpu.memory_space<hbm>>) target(%arg7 : memref<512xi32, #tpu.memory_space<vmem>>) target_semaphore(%run_scoped3A : memref<!tpu.dma_semaphore, #tpu.memory_space<semaphore_mem>>)
        %dma_wait3A = tpu.memref_slice %arg3[%add3A] : memref<802816xi32, #tpu.memory_space<hbm>> -> memref<512xi32, #tpu.memory_space<hbm>>
        %dma_wait3A_19 = tpu.memref_slice %arg3[%add3A] : memref<802816xi32, #tpu.memory_space<hbm>> -> memref<512xi32, #tpu.memory_space<hbm>>
        tpu.wait_dma2 semaphore(%run_scoped3A : memref<!tpu.dma_semaphore, #tpu.memory_space<semaphore_mem>>) src(%dma_wait3A_19 : memref<512xi32, #tpu.memory_space<hbm>>) dst(%arg7 : memref<512xi32, #tpu.memory_space<vmem>>)
        tpu.yield
      }) : () -> ()
      "tpu.region"() ({
        %run_scoped3A = tpu.sem_alloc : memref<!tpu.dma_semaphore, #tpu.memory_space<semaphore_mem>>
        %dma_start3A = tpu.memref_slice %arg4[%add3A] : memref<802816xi32, #tpu.memory_space<hbm>> -> memref<512xi32, #tpu.memory_space<hbm>>
        %dma_start3A_18 = tpu.memref_slice %arg4[%add3A] : memref<802816xi32, #tpu.memory_space<hbm>> -> memref<512xi32, #tpu.memory_space<hbm>>
        tpu.enqueue_dma source(%dma_start3A_18 : memref<512xi32, #tpu.memory_space<hbm>>) target(%arg8 : memref<512xi32, #tpu.memory_space<vmem>>) target_semaphore(%run_scoped3A : memref<!tpu.dma_semaphore, #tpu.memory_space<semaphore_mem>>)
        %dma_wait3A = tpu.memref_slice %arg4[%add3A] : memref<802816xi32, #tpu.memory_space<hbm>> -> memref<512xi32, #tpu.memory_space<hbm>>
        %dma_wait3A_19 = tpu.memref_slice %arg4[%add3A] : memref<802816xi32, #tpu.memory_space<hbm>> -> memref<512xi32, #tpu.memory_space<hbm>>
        tpu.wait_dma2 semaphore(%run_scoped3A : memref<!tpu.dma_semaphore, #tpu.memory_space<semaphore_mem>>) src(%dma_wait3A_19 : memref<512xi32, #tpu.memory_space<hbm>>) dst(%arg8 : memref<512xi32, #tpu.memory_space<vmem>>)
        tpu.yield
      }) : () -> ()
      %scan3A_12 = arith.constant 0 : i32
      %scan3A_13 = arith.constant 0 : i32
      %scan3A_14 = arith.constant 32 : i32
      %scan3A_15 = arith.addi %scan3A_13, %scan3A_14 : i32
      %scan3A_16 = arith.constant 1 : i32
      scf.for %scan3A_18 = %scan3A_13 to %scan3A_15 step %scan3A_16  : i32 {
        %mul3A_19 = arith.constant 16 : i32
        %mul3A_20 = arith.muli %scan3A_18, %mul3A_19 : i32
        %get3A = arith.index_cast %mul3A_20 : i32 to index
        %get3A_21 = tpu.vector_load %arg7[%get3A] {strides = array<i32>} : memref<512xi32, #tpu.memory_space<vmem>>, vector<16xi32>,
        %get3A_22 = vector.shape_cast %get3A_21 : vector<16xi32> to vector<16xi32>
        %mul3A_23 = arith.constant 2 : i32
        %mul3A_24 = vector.broadcast %mul3A_23 : i32 to vector<16xi32>
        %mul3A_25 = arith.muli %get3A_22, %mul3A_24 : vector<16xi32>
        %add3A_26 = vector.broadcast %arg0 : i32 to vector<16xi32>
        %add3A_27 = arith.addi %mul3A_25, %add3A_26 : vector<16xi32>
        %mul3A_28 = arith.constant 16 : i32
        %mul3A_29 = arith.muli %scan3A_18, %mul3A_28 : i32
        %swap3A = arith.index_cast %mul3A_29 : i32 to index
        %swap3A_30 = tpu.vector_load %arg7[%swap3A] {strides = array<i32>} : memref<512xi32, #tpu.memory_space<vmem>>, vector<16xi32>,
        %swap3A_31 = vector.shape_cast %swap3A_30 : vector<16xi32> to vector<16xi32>
        %swap3A_32 = vector.shape_cast %add3A_27 : vector<16xi32> to vector<16xi32>
        tpu.vector_store %arg7[%swap3A], %swap3A_32 {strides = array<i32>} : memref<512xi32, #tpu.memory_space<vmem>>, vector<16xi32>,
      }
      %scan3A_17 = arith.constant 32 : i32
      "tpu.region"() ({
        %run_scoped3A = tpu.sem_alloc : memref<!tpu.dma_semaphore, #tpu.memory_space<semaphore_mem>>
        %dma_start3A = arith.constant 0 : i32
        %dma_start3A_18 = arith.constant 0 : i32
        %dma_start3A_19 = tpu.memref_slice %arg2[%dma_start3A, %dma_start3A_18] : memref<100352x32xf32, #tpu.memory_space<hbm>> -> memref<100352x32xf32, #tpu.memory_space<hbm>>
        tpu.enqueue_indirect_dma source(%dma_start3A_19 : memref<100352x32xf32, #tpu.memory_space<hbm>>) target(%arg9 : memref<512x32xf32, #tpu.memory_space<vmem>>) offsets(%arg7 : memref<512xi32, #tpu.memory_space<vmem>>) semaphore(%run_scoped3A : memref<!tpu.dma_semaphore, #tpu.memory_space<semaphore_mem>>)
        %dma_wait3A = arith.constant 0 : i32
        %dma_wait3A_20 = arith.constant 0 : i32
        %dma_wait3A_21 = tpu.memref_slice %arg2[%dma_wait3A, %dma_wait3A_20] : memref<100352x32xf32, #tpu.memory_space<hbm>> -> memref<100352x32xf32, #tpu.memory_space<hbm>>
        tpu.wait_indirect_dma semaphore(%run_scoped3A : memref<!tpu.dma_semaphore, #tpu.memory_space<semaphore_mem>>) src(%dma_wait3A_21 : memref<100352x32xf32, #tpu.memory_space<hbm>>) dst(%arg9 : memref<512x32xf32, #tpu.memory_space<vmem>>)
        tpu.yield
      }) : () -> ()
      "tpu.region"() ({
        %run_scoped3A = tpu.sem_alloc : memref<!tpu.dma_semaphore, #tpu.memory_space<semaphore_mem>>
        %dma_start3A = arith.constant 0 : i32
        %dma_start3A_18 = arith.constant 0 : i32
        %dma_start3A_19 = tpu.memref_slice %arg10[%dma_start3A, %dma_start3A_18] : memref<50176x32xf32, #tpu.memory_space<vmem_shared>> -> memref<50176x32xf32, #tpu.memory_space<vmem_shared>>
        tpu.enqueue_indirect_dma source(%arg9 : memref<512x32xf32, #tpu.memory_space<vmem>>) target(%dma_start3A_19 : memref<50176x32xf32, #tpu.memory_space<vmem_shared>>) offsets(%arg8 : memref<512xi32, #tpu.memory_space<vmem>>) semaphore(%run_scoped3A : memref<!tpu.dma_semaphore, #tpu.memory_space<semaphore_mem>>) {add = true}
        %dma_wait3A = arith.constant 0 : i32
        %dma_wait3A_20 = arith.constant 0 : i32
        %dma_wait3A_21 = tpu.memref_slice %arg10[%dma_wait3A, %dma_wait3A_20] : memref<50176x32xf32, #tpu.memory_space<vmem_shared>> -> memref<50176x32xf32, #tpu.memory_space<vmem_shared>>
        tpu.wait_indirect_dma semaphore(%run_scoped3A : memref<!tpu.dma_semaphore, #tpu.memory_space<semaphore_mem>>) src(%arg9 : memref<512x32xf32, #tpu.memory_space<vmem>>) dst(%dma_wait3A_21 : memref<50176x32xf32, #tpu.memory_space<vmem_shared>>)
        tpu.yield
      }) : () -> ()
    }
    %scan3A_7 = arith.constant 98 : i32
    %barrier3A_8 = arith.constant 0 : index
    tpu.barrier barrier_id(%barrier3A_8)
    "tpu.region"() ({
      %run_scoped3A = tpu.sem_alloc : memref<!tpu.dma_semaphore, #tpu.memory_space<semaphore_mem>>
      %dma_start3A = arith.constant 0 : i32
      %dma_start3A_9 = arith.constant 0 : i32
      %dma_start3A_10 = tpu.memref_slice %arg6[%arg0, %dma_start3A, %dma_start3A_9] : memref<2x50176x32xf32, #tpu.memory_space<hbm>> -> memref<1x50176x32xf32, #tpu.memory_space<hbm>>
      %dma_start3A_11 = tpu.memref_squeeze %dma_start3A_10 : memref<1x50176x32xf32, #tpu.memory_space<hbm>> -> memref<50176x32xf32, #tpu.memory_space<hbm>>
      %dma_start3A_12 = arith.constant 0 : i32
      %dma_start3A_13 = tpu.memref_slice %dma_start3A_11[%mul3A_0, %dma_start3A_12] : memref<50176x32xf32, #tpu.memory_space<hbm>> -> memref<3136x32xf32, #tpu.memory_space<hbm>>
      %dma_start3A_14 = arith.constant 0 : i32
      %dma_start3A_15 = tpu.memref_slice %arg10[%mul3A_0, %dma_start3A_14] : memref<50176x32xf32, #tpu.memory_space<vmem_shared>> -> memref<3136x32xf32, #tpu.memory_space<vmem_shared>>
      tpu.enqueue_dma source(%dma_start3A_15 : memref<3136x32xf32, #tpu.memory_space<vmem_shared>>) target(%dma_start3A_13 : memref<3136x32xf32, #tpu.memory_space<hbm>>) target_semaphore(%run_scoped3A : memref<!tpu.dma_semaphore, #tpu.memory_space<semaphore_mem>>)
      %dma_wait3A = arith.constant 0 : i32
      %dma_wait3A_16 = arith.constant 0 : i32
      %dma_wait3A_17 = tpu.memref_slice %arg6[%arg0, %dma_wait3A, %dma_wait3A_16] : memref<2x50176x32xf32, #tpu.memory_space<hbm>> -> memref<1x50176x32xf32, #tpu.memory_space<hbm>>
      %dma_wait3A_18 = tpu.memref_squeeze %dma_wait3A_17 : memref<1x50176x32xf32, #tpu.memory_space<hbm>> -> memref<50176x32xf32, #tpu.memory_space<hbm>>
      %dma_wait3A_19 = arith.constant 0 : i32
      %dma_wait3A_20 = tpu.memref_slice %dma_wait3A_18[%mul3A_0, %dma_wait3A_19] : memref<50176x32xf32, #tpu.memory_space<hbm>> -> memref<3136x32xf32, #tpu.memory_space<hbm>>
      %dma_wait3A_21 = arith.constant 0 : i32
      %dma_wait3A_22 = tpu.memref_slice %arg10[%mul3A_0, %dma_wait3A_21] : memref<50176x32xf32, #tpu.memory_space<vmem_shared>> -> memref<3136x32xf32, #tpu.memory_space<vmem_shared>>
      tpu.wait_dma2 semaphore(%run_scoped3A : memref<!tpu.dma_semaphore, #tpu.memory_space<semaphore_mem>>) src(%dma_wait3A_22 : memref<3136x32xf32, #tpu.memory_space<vmem_shared>>) dst(%dma_wait3A_20 : memref<3136x32xf32, #tpu.memory_space<hbm>>)
      tpu.yield
    }) : () -> ()
    return
  }
}

module attributes {stable_mosaic.version = 14 : i64} {
  func.func @_gin_mlp_kernel(%arg0: i32, %arg1: memref<6272x64xf32, #tpu.memory_space<vmem>>, %arg2: memref<6272x64xf32, #tpu.memory_space<vmem>>, %arg3: memref<64x8xf32, #tpu.memory_space<vmem>>, %arg4: memref<1x8xf32, #tpu.memory_space<vmem>>, %arg5: memref<8x64xf32, #tpu.memory_space<vmem>>, %arg6: memref<1x64xf32, #tpu.memory_space<vmem>>, %arg7: memref<64x1xf32, #tpu.memory_space<vmem>>, %arg8: memref<6272x64xf32, #tpu.memory_space<vmem>>, %arg9: memref<6272x1xf32, #tpu.memory_space<vmem>>) attributes {dimension_semantics = [#tpu.dimension_semantics<arbitrary>], iteration_bounds = array<i64: 8>, scalar_prefetch = 0 : i64, scratch_operands = 0 : i64, tpu.core_type = #tpu.core_type<tc>, window_params = [{transform_indices = @transform_0, window_bounds = array<i64: 6272, 64>}, {transform_indices = @transform_1, window_bounds = array<i64: 6272, 64>}, {pipeline_mode = #tpu.pipeline_mode<synchronous>, transform_indices = @transform_2, window_bounds = array<i64: 64, 8>}, {pipeline_mode = #tpu.pipeline_mode<synchronous>, transform_indices = @transform_3, window_bounds = array<i64: 1, 8>}, {pipeline_mode = #tpu.pipeline_mode<synchronous>, transform_indices = @transform_4, window_bounds = array<i64: 8, 64>}, {pipeline_mode = #tpu.pipeline_mode<synchronous>, transform_indices = @transform_5, window_bounds = array<i64: 1, 64>}, {pipeline_mode = #tpu.pipeline_mode<synchronous>, transform_indices = @transform_6, window_bounds = array<i64: 64, 1>}, {transform_indices = @transform_7, window_bounds = array<i64: 6272, 64>}, {transform_indices = @transform_8, window_bounds = array<i64: 6272, 1>}]} {
    %get3A = arith.constant 0 : index
    %get3A_0 = arith.constant 0 : index
    %get3A_1 = vector.load %arg1[%get3A, %get3A_0] : memref<6272x64xf32, #tpu.memory_space<vmem>>, vector<6272x64xf32>
    %mul3A = arith.constant 6.500000e+01 : f32
    %mul3A_2 = vector.broadcast %mul3A : f32 to vector<6272x64xf32>
    %mul3A_3 = arith.mulf %mul3A_2, %get3A_1 : vector<6272x64xf32>
    %get3A_4 = arith.constant 0 : index
    %get3A_5 = arith.constant 0 : index
    %get3A_6 = vector.load %arg2[%get3A_4, %get3A_5] : memref<6272x64xf32, #tpu.memory_space<vmem>>, vector<6272x64xf32>
    %add3A = arith.addf %mul3A_3, %get3A_6 : vector<6272x64xf32>
    %get3A_7 = arith.constant 0 : index
    %get3A_8 = arith.constant 0 : index
    %get3A_9 = vector.load %arg3[%get3A_7, %get3A_8] : memref<64x8xf32, #tpu.memory_space<vmem>>, vector<64x8xf32>
    %dot_general3A = arith.constant dense<0.000000e+00> : vector<6272x8xf32>
    %dot_general3A_10 = tpu.matmul %add3A, %get3A_9, %dot_general3A {dimension_numbers = #tpu.dot_dimension_numbers<[1], [0], [0], [1], [0, 0, 1, 1], [], []>, transpose_lhs_hint = false} : vector<6272x64xf32>, vector<64x8xf32>, vector<6272x8xf32> -> vector<6272x8xf32>
    %get3A_11 = arith.constant 0 : index
    %get3A_12 = arith.constant 0 : index
    %get3A_13 = vector.load %arg4[%get3A_11, %get3A_12] : memref<1x8xf32, #tpu.memory_space<vmem>>, vector<1x8xf32>
    %add3A_14 = vector.broadcast %get3A_13 : vector<1x8xf32> to vector<6272x8xf32>
    %add3A_15 = arith.addf %dot_general3A_10, %add3A_14 : vector<6272x8xf32>
    %max3A = arith.constant 0.000000e+00 : f32
    %max3A_16 = vector.broadcast %max3A : f32 to vector<6272x8xf32>
    %max3A_17 = arith.maximumf %add3A_15, %max3A_16 : vector<6272x8xf32>
    %get3A_18 = arith.constant 0 : index
    %get3A_19 = arith.constant 0 : index
    %get3A_20 = vector.load %arg5[%get3A_18, %get3A_19] : memref<8x64xf32, #tpu.memory_space<vmem>>, vector<8x64xf32>
    %dot_general3A_21 = arith.constant dense<0.000000e+00> : vector<6272x64xf32>
    %dot_general3A_22 = tpu.matmul %max3A_17, %get3A_20, %dot_general3A_21 {dimension_numbers = #tpu.dot_dimension_numbers<[1], [0], [0], [1], [0, 0, 1, 1], [], []>, transpose_lhs_hint = false} : vector<6272x8xf32>, vector<8x64xf32>, vector<6272x64xf32> -> vector<6272x64xf32>
    %get3A_23 = arith.constant 0 : index
    %get3A_24 = arith.constant 0 : index
    %get3A_25 = vector.load %arg6[%get3A_23, %get3A_24] : memref<1x64xf32, #tpu.memory_space<vmem>>, vector<1x64xf32>
    %add3A_26 = vector.broadcast %get3A_25 : vector<1x64xf32> to vector<6272x64xf32>
    %add3A_27 = arith.addf %dot_general3A_22, %add3A_26 : vector<6272x64xf32>
    %swap3A = arith.constant 0 : index
    %swap3A_28 = arith.constant 0 : index
    %swap3A_29 = vector.load %arg8[%swap3A, %swap3A_28] : memref<6272x64xf32, #tpu.memory_space<vmem>>, vector<6272x64xf32>
    tpu.vector_store %arg8[%swap3A, %swap3A_28], %add3A_27 {strides = array<i32>} : memref<6272x64xf32, #tpu.memory_space<vmem>>, vector<6272x64xf32>,
    %get3A_30 = arith.constant 0 : index
    %get3A_31 = arith.constant 0 : index
    %get3A_32 = vector.load %arg7[%get3A_30, %get3A_31] : memref<64x1xf32, #tpu.memory_space<vmem>>, vector<64x1xf32>
    %dot_general3A_33 = arith.constant dense<0.000000e+00> : vector<6272x1xf32>
    %dot_general3A_34 = tpu.matmul %add3A_27, %get3A_32, %dot_general3A_33 {dimension_numbers = #tpu.dot_dimension_numbers<[1], [0], [0], [1], [0, 0, 1, 1], [], []>, transpose_lhs_hint = false} : vector<6272x64xf32>, vector<64x1xf32>, vector<6272x1xf32> -> vector<6272x1xf32>
    %swap3A_35 = arith.constant 0 : index
    %swap3A_36 = arith.constant 0 : index
    %swap3A_37 = vector.load %arg9[%swap3A_35, %swap3A_36] : memref<6272x1xf32, #tpu.memory_space<vmem>>, vector<6272x1xf32>
    tpu.vector_store %arg9[%swap3A_35, %swap3A_36], %dot_general3A_34 {strides = array<i32>} : memref<6272x1xf32, #tpu.memory_space<vmem>>, vector<6272x1xf32>,
    return
  }
  func.func @transform_0(%arg0: i32) -> (i32, i32) {
    %c0_i32 = arith.constant 0 : i32
    %c0_i32_0 = arith.constant 0 : i32
    return %arg0, %c0_i32 : i32, i32
  }
  func.func @transform_1(%arg0: i32) -> (i32, i32) {
    %c0_i32 = arith.constant 0 : i32
    %c0_i32_0 = arith.constant 0 : i32
    return %arg0, %c0_i32 : i32, i32
  }
  func.func @transform_2(%arg0: i32) -> (i32, i32) {
    %c0_i32 = arith.constant 0 : i32
    %c0_i32_0 = arith.constant 0 : i32
    %c0_i32_1 = arith.constant 0 : i32
    return %c0_i32, %c0_i32_0 : i32, i32
  }
  func.func @transform_3(%arg0: i32) -> (i32, i32) {
    %c0_i32 = arith.constant 0 : i32
    %c0_i32_0 = arith.constant 0 : i32
    %c0_i32_1 = arith.constant 0 : i32
    return %c0_i32, %c0_i32_0 : i32, i32
  }
  func.func @transform_4(%arg0: i32) -> (i32, i32) {
    %c0_i32 = arith.constant 0 : i32
    %c0_i32_0 = arith.constant 0 : i32
    %c0_i32_1 = arith.constant 0 : i32
    return %c0_i32, %c0_i32_0 : i32, i32
  }
  func.func @transform_5(%arg0: i32) -> (i32, i32) {
    %c0_i32 = arith.constant 0 : i32
    %c0_i32_0 = arith.constant 0 : i32
    %c0_i32_1 = arith.constant 0 : i32
    return %c0_i32, %c0_i32_0 : i32, i32
  }
  func.func @transform_6(%arg0: i32) -> (i32, i32) {
    %c0_i32 = arith.constant 0 : i32
    %c0_i32_0 = arith.constant 0 : i32
    %c0_i32_1 = arith.constant 0 : i32
    return %c0_i32, %c0_i32_0 : i32, i32
  }
  func.func @transform_7(%arg0: i32) -> (i32, i32) {
    %c0_i32 = arith.constant 0 : i32
    %c0_i32_0 = arith.constant 0 : i32
    return %arg0, %c0_i32 : i32, i32
  }
  func.func @transform_8(%arg0: i32) -> (i32, i32) {
    %c0_i32 = arith.constant 0 : i32
    %c0_i32_0 = arith.constant 0 : i32
    return %arg0, %c0_i32 : i32, i32
  }
}

module attributes {stable_mosaic.version = 14 : i64} {
  func.func @_select1_kernel(%arg0: memref<392x128xf32, #tpu.memory_space<vmem>>, %arg1: memref<392x128xf32, #tpu.memory_space<vmem>>, %arg2: memref<392x128xf32, #tpu.memory_space<vmem>>) attributes {dimension_semantics = [], scalar_prefetch = 0 : i64, scratch_operands = 0 : i64, tpu.core_type = #tpu.core_type<tc>} {
    %get3A = arith.constant 0 : index
    %get3A_0 = arith.constant 0 : index
    %get3A_1 = vector.load %arg0[%get3A, %get3A_0] : memref<392x128xf32, #tpu.memory_space<vmem>>, vector<392x128xf32>
    %bitcast_convert_type3A = tpu.bitcast %get3A_1 : vector<392x128xf32> -> vector<392x128xi32>
    %iota3A = tpu.iota {dimensions = array<i32: 0>} : vector<392x128xi32>
    %iota3A_2 = tpu.iota {dimensions = array<i32: 1>} : vector<392x128xi32>
    %mul3A = arith.constant 128 : i32
    %mul3A_3 = vector.broadcast %mul3A : i32 to vector<392x128xi32>
    %mul3A_4 = arith.muli %iota3A, %mul3A_3 : vector<392x128xi32>
    %add3A = arith.addi %mul3A_4, %iota3A_2 : vector<392x128xi32>
    %lt3A = arith.constant 50000 : i32
    %lt3A_5 = vector.broadcast %lt3A : i32 to vector<392x128xi32>
    %lt3A_6 = arith.cmpi slt, %add3A, %lt3A_5 : vector<392x128xi32>
    %scan3A = arith.constant 0 : i32
    %scan3A_7 = arith.constant 0 : i32
    %scan3A_8 = arith.constant 31 : i32
    %scan3A_9 = arith.addi %scan3A_7, %scan3A_8 : i32
    %scan3A_10 = arith.constant 1 : i32
    %scan3A_11 = scf.for %scan3A_37 = %scan3A_7 to %scan3A_9 step %scan3A_10 iter_args(%scan3A_38 = %scan3A) -> (i32)  : i32 {
      %sub3A_39 = arith.constant 30 : i32
      %sub3A_40 = arith.subi %sub3A_39, %scan3A_37 : i32
      %shift_left3A = arith.constant 1 : i32
      %shift_left3A_41 = arith.shli %shift_left3A, %sub3A_40 : i32
      %or3A_42 = arith.ori %scan3A_38, %shift_left3A_41 : i32
      %ge3A = vector.broadcast %or3A_42 : i32 to vector<392x128xi32>
      %ge3A_43 = arith.cmpi sge, %bitcast_convert_type3A, %ge3A : vector<392x128xi32>
      %and3A_44 = arith.andi %lt3A_6, %ge3A_43 : vector<392x128xi1>
      %jit3A_45 = arith.constant 1 : i32
      %jit3A_46 = arith.constant 0 : i32
      %broadcast_in_dim3A_47 = vector.broadcast %jit3A_45 : i32 to vector<392x128xi32>
      %broadcast_in_dim3A_48 = vector.broadcast %jit3A_46 : i32 to vector<392x128xi32>
      %select_n3A_49 = arith.select %and3A_44, %broadcast_in_dim3A_47, %broadcast_in_dim3A_48 : vector<392x128xi1>, vector<392x128xi32>
      %reduce_sum3A_50 = vector.shape_cast %select_n3A_49 : vector<392x128xi32> to vector<1x392x128xi32>
      %reduce_sum3A_51 = arith.constant dense<0> : vector<1xi32>
      %reduce_sum3A_52 = vector.multi_reduction <add>, %reduce_sum3A_50, %reduce_sum3A_51 [1, 2] : vector<1x392x128xi32> to vector<1xi32>
      %reduce_sum3A_53 = vector.shape_cast %reduce_sum3A_52 : vector<1xi32> to vector<1x1x1xi32>
      %reduce_sum3A_54 = vector.extract %reduce_sum3A_53[0, 0, 0] : i32 from vector<1x1x1xi32>
      %ge3A_55 = arith.constant 25000 : i32
      %ge3A_56 = arith.cmpi sge, %reduce_sum3A_54, %ge3A_55 : i32
      %select_n3A_57 = arith.select %ge3A_56, %or3A_42, %scan3A_38 : i32
      scf.yield %select_n3A_57 : i32
    }
    %scan3A_12 = arith.constant 31 : i32
    %gt3A = vector.broadcast %scan3A_11 : i32 to vector<392x128xi32>
    %gt3A_13 = arith.cmpi sgt, %bitcast_convert_type3A, %gt3A : vector<392x128xi32>
    %and3A = arith.andi %lt3A_6, %gt3A_13 : vector<392x128xi1>
    %eq3A = vector.broadcast %scan3A_11 : i32 to vector<392x128xi32>
    %eq3A_14 = arith.cmpi eq, %bitcast_convert_type3A, %eq3A : vector<392x128xi32>
    %and3A_15 = arith.andi %lt3A_6, %eq3A_14 : vector<392x128xi1>
    %convert_element_type3A = arith.extui %and3A : vector<392x128xi1> to vector<392x128xi32>
    %reduce_sum3A = vector.shape_cast %convert_element_type3A : vector<392x128xi32> to vector<1x392x128xi32>
    %reduce_sum3A_16 = arith.constant dense<0> : vector<1xi32>
    %reduce_sum3A_17 = vector.multi_reduction <add>, %reduce_sum3A, %reduce_sum3A_16 [1, 2] : vector<1x392x128xi32> to vector<1xi32>
    %reduce_sum3A_18 = vector.shape_cast %reduce_sum3A_17 : vector<1xi32> to vector<1x1x1xi32>
    %reduce_sum3A_19 = vector.extract %reduce_sum3A_18[0, 0, 0] : i32 from vector<1x1x1xi32>
    %sub3A = arith.constant 25000 : i32
    %sub3A_20 = arith.subi %sub3A, %reduce_sum3A_19 : i32
    %scan3A_21 = arith.constant 0 : i32
    %scan3A_22 = arith.constant 0 : i32
    %scan3A_23 = arith.constant 16 : i32
    %scan3A_24 = arith.addi %scan3A_22, %scan3A_23 : i32
    %scan3A_25 = arith.constant 1 : i32
    %scan3A_26 = scf.for %scan3A_37 = %scan3A_22 to %scan3A_24 step %scan3A_25 iter_args(%scan3A_38 = %scan3A_21) -> (i32)  : i32 {
      %sub3A_39 = arith.constant 15 : i32
      %sub3A_40 = arith.subi %sub3A_39, %scan3A_37 : i32
      %shift_left3A = arith.constant 1 : i32
      %shift_left3A_41 = arith.shli %shift_left3A, %sub3A_40 : i32
      %or3A_42 = arith.ori %scan3A_38, %shift_left3A_41 : i32
      %lt3A_43 = vector.broadcast %or3A_42 : i32 to vector<392x128xi32>
      %lt3A_44 = arith.cmpi slt, %add3A, %lt3A_43 : vector<392x128xi32>
      %and3A_45 = arith.andi %and3A_15, %lt3A_44 : vector<392x128xi1>
      %jit3A_46 = arith.constant 1 : i32
      %jit3A_47 = arith.constant 0 : i32
      %broadcast_in_dim3A_48 = vector.broadcast %jit3A_46 : i32 to vector<392x128xi32>
      %broadcast_in_dim3A_49 = vector.broadcast %jit3A_47 : i32 to vector<392x128xi32>
      %select_n3A_50 = arith.select %and3A_45, %broadcast_in_dim3A_48, %broadcast_in_dim3A_49 : vector<392x128xi1>, vector<392x128xi32>
      %reduce_sum3A_51 = vector.shape_cast %select_n3A_50 : vector<392x128xi32> to vector<1x392x128xi32>
      %reduce_sum3A_52 = arith.constant dense<0> : vector<1xi32>
      %reduce_sum3A_53 = vector.multi_reduction <add>, %reduce_sum3A_51, %reduce_sum3A_52 [1, 2] : vector<1x392x128xi32> to vector<1xi32>
      %reduce_sum3A_54 = vector.shape_cast %reduce_sum3A_53 : vector<1xi32> to vector<1x1x1xi32>
      %reduce_sum3A_55 = vector.extract %reduce_sum3A_54[0, 0, 0] : i32 from vector<1x1x1xi32>
      %lt3A_56 = arith.cmpi slt, %reduce_sum3A_55, %sub3A_20 : i32
      %select_n3A_57 = arith.select %lt3A_56, %or3A_42, %scan3A_38 : i32
      scf.yield %select_n3A_57 : i32
    }
    %scan3A_27 = arith.constant 16 : i32
    %le3A = vector.broadcast %scan3A_26 : i32 to vector<392x128xi32>
    %le3A_28 = arith.cmpi sle, %add3A, %le3A : vector<392x128xi32>
    %and3A_29 = arith.andi %and3A_15, %le3A_28 : vector<392x128xi1>
    %or3A = arith.ori %and3A, %and3A_29 : vector<392x128xi1>
    %convert_element_type3A_30 = arith.extui %or3A : vector<392x128xi1> to vector<392x128xi32>
    %convert_element_type3A_31 = arith.sitofp %convert_element_type3A_30 : vector<392x128xi32> to vector<392x128xf32>
    %swap3A = arith.constant 0 : index
    %swap3A_32 = arith.constant 0 : index
    %swap3A_33 = vector.load %arg2[%swap3A, %swap3A_32] : memref<392x128xf32, #tpu.memory_space<vmem>>, vector<392x128xf32>
    tpu.vector_store %arg2[%swap3A, %swap3A_32], %convert_element_type3A_31 {strides = array<i32>} : memref<392x128xf32, #tpu.memory_space<vmem>>, vector<392x128xf32>,
    %jit3A = arith.constant 0.000000e+00 : f32
    %broadcast_in_dim3A = vector.broadcast %jit3A : f32 to vector<392x128xf32>
    %select_n3A = arith.select %or3A, %get3A_1, %broadcast_in_dim3A : vector<392x128xi1>, vector<392x128xf32>
    %swap3A_34 = arith.constant 0 : index
    %swap3A_35 = arith.constant 0 : index
    %swap3A_36 = vector.load %arg1[%swap3A_34, %swap3A_35] : memref<392x128xf32, #tpu.memory_space<vmem>>, vector<392x128xf32>
    tpu.vector_store %arg1[%swap3A_34, %swap3A_35], %select_n3A {strides = array<i32>} : memref<392x128xf32, #tpu.memory_space<vmem>>, vector<392x128xf32>,
    return
  }
}

module attributes {stable_mosaic.version = 14 : i64} {
  func.func @_pool_kernel(%arg0: i32, %arg1: memref<6272x64xf32, #tpu.memory_space<vmem>>, %arg2: memref<6272x1xf32, #tpu.memory_space<vmem>>, %arg3: memref<6272x1xf32, #tpu.memory_space<vmem>>, %arg4: memref<6272x64xf32, #tpu.memory_space<vmem>>, %arg5: memref<1x128xf32, #tpu.memory_space<vmem>>, %arg6: memref<1x64xf32, #tpu.memory_space<vmem>>, %arg7: memref<1x64xf32, #tpu.memory_space<vmem>>) attributes {dimension_semantics = [#tpu.dimension_semantics<arbitrary>], iteration_bounds = array<i64: 8>, scalar_prefetch = 0 : i64, scratch_operands = 2 : i64, tpu.core_type = #tpu.core_type<tc>, window_params = [{transform_indices = @transform_0, window_bounds = array<i64: 6272, 64>}, {transform_indices = @transform_1, window_bounds = array<i64: 6272, 1>}, {transform_indices = @transform_2, window_bounds = array<i64: 6272, 1>}, {transform_indices = @transform_3, window_bounds = array<i64: 6272, 64>}, {pipeline_mode = #tpu.pipeline_mode<synchronous>, transform_indices = @transform_4, window_bounds = array<i64: 1, 128>}]} {
    %get3A = arith.constant 0 : index
    %get3A_0 = arith.constant 0 : index
    %get3A_1 = vector.load %arg1[%get3A, %get3A_0] : memref<6272x64xf32, #tpu.memory_space<vmem>>, vector<6272x64xf32>
    %get3A_2 = arith.constant 0 : index
    %get3A_3 = arith.constant 0 : index
    %get3A_4 = vector.load %arg2[%get3A_2, %get3A_3] : memref<6272x1xf32, #tpu.memory_space<vmem>>, vector<6272x1xf32>
    %get3A_5 = arith.constant 0 : index
    %get3A_6 = arith.constant 0 : index
    %get3A_7 = vector.load %arg3[%get3A_5, %get3A_6] : memref<6272x1xf32, #tpu.memory_space<vmem>>, vector<6272x1xf32>
    %gt3A = arith.constant 0.000000e+00 : f32
    %gt3A_8 = vector.broadcast %gt3A : f32 to vector<6272x1xf32>
    %gt3A_9 = arith.cmpf ogt, %get3A_7, %gt3A_8 : vector<6272x1xf32>
    %mul3A = vector.broadcast %get3A_4 : vector<6272x1xf32> to vector<6272x64xf32>
    %mul3A_10 = arith.mulf %get3A_1, %mul3A : vector<6272x64xf32>
    %swap3A = arith.constant 0 : index
    %swap3A_11 = arith.constant 0 : index
    %swap3A_12 = vector.load %arg4[%swap3A, %swap3A_11] : memref<6272x64xf32, #tpu.memory_space<vmem>>, vector<6272x64xf32>
    tpu.vector_store %arg4[%swap3A, %swap3A_11], %mul3A_10 {strides = array<i32>} : memref<6272x64xf32, #tpu.memory_space<vmem>>, vector<6272x64xf32>,
    %jit3A = arith.constant 0xFF800000 : f32
    %broadcast_in_dim3A = vector.shape_cast %gt3A_9 : vector<6272x1xi1> to vector<6272x1xi1>
    %broadcast_in_dim3A_13 = vector.broadcast %broadcast_in_dim3A : vector<6272x1xi1> to vector<6272x64xi1>
    %broadcast_in_dim3A_14 = vector.broadcast %jit3A : f32 to vector<6272x64xf32>
    %select_n3A = arith.select %broadcast_in_dim3A_13, %mul3A_10, %broadcast_in_dim3A_14 : vector<6272x64xi1>, vector<6272x64xf32>
    %reduce_max3A = arith.constant dense<0xFF800000> : vector<64xf32>
    %reduce_max3A_15 = vector.multi_reduction <maximumf>, %select_n3A, %reduce_max3A [0] : vector<6272x64xf32> to vector<64xf32>
    %broadcast_in_dim3A_16 = vector.shape_cast %reduce_max3A_15 : vector<64xf32> to vector<1x64xf32>
    %reduce_sum3A = arith.constant dense<0.000000e+00> : vector<64xf32>
    %reduce_sum3A_17 = vector.multi_reduction <add>, %mul3A_10, %reduce_sum3A [0] : vector<6272x64xf32> to vector<64xf32>
    %broadcast_in_dim3A_18 = vector.shape_cast %reduce_sum3A_17 : vector<64xf32> to vector<1x64xf32>
    %eq3A = arith.constant 0 : i32
    %eq3A_19 = arith.cmpi eq, %arg0, %eq3A : i32
    %convert_element_type3A = arith.extui %eq3A_19 : i1 to i32
    %cond3A = arith.constant 0 : i32
    %cond3A_20 = arith.cmpi ne, %convert_element_type3A, %cond3A : i32
    scf.if %cond3A_20 {
      %swap3A_31 = arith.constant 0 : index
      %swap3A_32 = arith.constant 0 : index
      %swap3A_33 = vector.load %arg6[%swap3A_31, %swap3A_32] : memref<1x64xf32, #tpu.memory_space<vmem>>, vector<1x64xf32>
      tpu.vector_store %arg6[%swap3A_31, %swap3A_32], %broadcast_in_dim3A_16 {strides = array<i32>} : memref<1x64xf32, #tpu.memory_space<vmem>>, vector<1x64xf32>,
      %swap3A_34 = arith.constant 0 : index
      %swap3A_35 = arith.constant 0 : index
      %swap3A_36 = vector.load %arg7[%swap3A_34, %swap3A_35] : memref<1x64xf32, #tpu.memory_space<vmem>>, vector<1x64xf32>
      tpu.vector_store %arg7[%swap3A_34, %swap3A_35], %broadcast_in_dim3A_18 {strides = array<i32>} : memref<1x64xf32, #tpu.memory_space<vmem>>, vector<1x64xf32>,
    } else {
    }
    %gt3A_21 = arith.constant 0 : i32
    %gt3A_22 = arith.cmpi sgt, %arg0, %gt3A_21 : i32
    %convert_element_type3A_23 = arith.extui %gt3A_22 : i1 to i32
    %cond3A_24 = arith.constant 0 : i32
    %cond3A_25 = arith.cmpi ne, %convert_element_type3A_23, %cond3A_24 : i32
    scf.if %cond3A_25 {
      %get3A_31 = arith.constant 0 : index
      %get3A_32 = arith.constant 0 : index
      %get3A_33 = vector.load %arg6[%get3A_31, %get3A_32] : memref<1x64xf32, #tpu.memory_space<vmem>>, vector<1x64xf32>
      %max3A = arith.maximumf %get3A_33, %broadcast_in_dim3A_16 : vector<1x64xf32>
      %swap3A_34 = arith.constant 0 : index
      %swap3A_35 = arith.constant 0 : index
      %swap3A_36 = vector.load %arg6[%swap3A_34, %swap3A_35] : memref<1x64xf32, #tpu.memory_space<vmem>>, vector<1x64xf32>
      tpu.vector_store %arg6[%swap3A_34, %swap3A_35], %max3A {strides = array<i32>} : memref<1x64xf32, #tpu.memory_space<vmem>>, vector<1x64xf32>,
      %get3A_37 = arith.constant 0 : index
      %get3A_38 = arith.constant 0 : index
      %get3A_39 = vector.load %arg7[%get3A_37, %get3A_38] : memref<1x64xf32, #tpu.memory_space<vmem>>, vector<1x64xf32>
      %add3A = arith.addf %get3A_39, %broadcast_in_dim3A_18 : vector<1x64xf32>
      %swap3A_40 = arith.constant 0 : index
      %swap3A_41 = arith.constant 0 : index
      %swap3A_42 = vector.load %arg7[%swap3A_40, %swap3A_41] : memref<1x64xf32, #tpu.memory_space<vmem>>, vector<1x64xf32>
      tpu.vector_store %arg7[%swap3A_40, %swap3A_41], %add3A {strides = array<i32>} : memref<1x64xf32, #tpu.memory_space<vmem>>, vector<1x64xf32>,
    } else {
    }
    %eq3A_26 = arith.constant 7 : i32
    %eq3A_27 = arith.cmpi eq, %arg0, %eq3A_26 : i32
    %convert_element_type3A_28 = arith.extui %eq3A_27 : i1 to i32
    %cond3A_29 = arith.constant 0 : i32
    %cond3A_30 = arith.cmpi ne, %convert_element_type3A_28, %cond3A_29 : i32
    scf.if %cond3A_30 {
      %get3A_31 = arith.constant 0 : index
      %get3A_32 = arith.constant 0 : index
      %get3A_33 = vector.load %arg6[%get3A_31, %get3A_32] : memref<1x64xf32, #tpu.memory_space<vmem>>, vector<1x64xf32>
      %get3A_34 = arith.constant 0 : index
      %get3A_35 = arith.constant 0 : index
      %get3A_36 = vector.load %arg7[%get3A_34, %get3A_35] : memref<1x64xf32, #tpu.memory_space<vmem>>, vector<1x64xf32>
      %div3A = arith.constant 2.500000e+04 : f32
      %div3A_37 = vector.broadcast %div3A : f32 to vector<1x64xf32>
      %div3A_38 = arith.divf %get3A_36, %div3A_37 : vector<1x64xf32>
      %concatenate3A = tpu.concatenate %get3A_33, %div3A_38 in 1 : vector<1x64xf32>, vector<1x64xf32> -> vector<1x128xf32>
      %swap3A_39 = arith.constant 0 : index
      %swap3A_40 = arith.constant 0 : index
      %swap3A_41 = vector.load %arg5[%swap3A_39, %swap3A_40] : memref<1x128xf32, #tpu.memory_space<vmem>>, vector<1x128xf32>
      tpu.vector_store %arg5[%swap3A_39, %swap3A_40], %concatenate3A {strides = array<i32>} : memref<1x128xf32, #tpu.memory_space<vmem>>, vector<1x128xf32>,
    } else {
    }
    return
  }
  func.func @transform_0(%arg0: i32) -> (i32, i32) {
    %c0_i32 = arith.constant 0 : i32
    %c0_i32_0 = arith.constant 0 : i32
    return %arg0, %c0_i32 : i32, i32
  }
  func.func @transform_1(%arg0: i32) -> (i32, i32) {
    %c0_i32 = arith.constant 0 : i32
    %c0_i32_0 = arith.constant 0 : i32
    return %arg0, %c0_i32 : i32, i32
  }
  func.func @transform_2(%arg0: i32) -> (i32, i32) {
    %c0_i32 = arith.constant 0 : i32
    %c0_i32_0 = arith.constant 0 : i32
    return %arg0, %c0_i32 : i32, i32
  }
  func.func @transform_3(%arg0: i32) -> (i32, i32) {
    %c0_i32 = arith.constant 0 : i32
    %c0_i32_0 = arith.constant 0 : i32
    return %arg0, %c0_i32 : i32, i32
  }
  func.func @transform_4(%arg0: i32) -> (i32, i32) {
    %c0_i32 = arith.constant 0 : i32
    %c0_i32_0 = arith.constant 0 : i32
    %c0_i32_1 = arith.constant 0 : i32
    return %c0_i32, %c0_i32_0 : i32, i32
  }
}

module attributes {stable_mosaic.version = 14 : i64} {
  func.func @_gin_mlp_kernel(%arg0: i32, %arg1: memref<6272x64xf32, #tpu.memory_space<vmem>>, %arg2: memref<6272x64xf32, #tpu.memory_space<vmem>>, %arg3: memref<64x8xf32, #tpu.memory_space<vmem>>, %arg4: memref<1x8xf32, #tpu.memory_space<vmem>>, %arg5: memref<8x128xf32, #tpu.memory_space<vmem>>, %arg6: memref<1x128xf32, #tpu.memory_space<vmem>>, %arg7: memref<128x1xf32, #tpu.memory_space<vmem>>, %arg8: memref<6272x128xf32, #tpu.memory_space<vmem>>, %arg9: memref<6272x1xf32, #tpu.memory_space<vmem>>) attributes {dimension_semantics = [#tpu.dimension_semantics<arbitrary>], iteration_bounds = array<i64: 8>, scalar_prefetch = 0 : i64, scratch_operands = 0 : i64, tpu.core_type = #tpu.core_type<tc>, window_params = [{transform_indices = @transform_0, window_bounds = array<i64: 6272, 64>}, {transform_indices = @transform_1, window_bounds = array<i64: 6272, 64>}, {pipeline_mode = #tpu.pipeline_mode<synchronous>, transform_indices = @transform_2, window_bounds = array<i64: 64, 8>}, {pipeline_mode = #tpu.pipeline_mode<synchronous>, transform_indices = @transform_3, window_bounds = array<i64: 1, 8>}, {pipeline_mode = #tpu.pipeline_mode<synchronous>, transform_indices = @transform_4, window_bounds = array<i64: 8, 128>}, {pipeline_mode = #tpu.pipeline_mode<synchronous>, transform_indices = @transform_5, window_bounds = array<i64: 1, 128>}, {pipeline_mode = #tpu.pipeline_mode<synchronous>, transform_indices = @transform_6, window_bounds = array<i64: 128, 1>}, {transform_indices = @transform_7, window_bounds = array<i64: 6272, 128>}, {transform_indices = @transform_8, window_bounds = array<i64: 6272, 1>}]} {
    %get3A = arith.constant 0 : index
    %get3A_0 = arith.constant 0 : index
    %get3A_1 = vector.load %arg1[%get3A, %get3A_0] : memref<6272x64xf32, #tpu.memory_space<vmem>>, vector<6272x64xf32>
    %mul3A = arith.constant 1.010000e+02 : f32
    %mul3A_2 = vector.broadcast %mul3A : f32 to vector<6272x64xf32>
    %mul3A_3 = arith.mulf %mul3A_2, %get3A_1 : vector<6272x64xf32>
    %get3A_4 = arith.constant 0 : index
    %get3A_5 = arith.constant 0 : index
    %get3A_6 = vector.load %arg2[%get3A_4, %get3A_5] : memref<6272x64xf32, #tpu.memory_space<vmem>>, vector<6272x64xf32>
    %add3A = arith.addf %mul3A_3, %get3A_6 : vector<6272x64xf32>
    %get3A_7 = arith.constant 0 : index
    %get3A_8 = arith.constant 0 : index
    %get3A_9 = vector.load %arg3[%get3A_7, %get3A_8] : memref<64x8xf32, #tpu.memory_space<vmem>>, vector<64x8xf32>
    %dot_general3A = arith.constant dense<0.000000e+00> : vector<6272x8xf32>
    %dot_general3A_10 = tpu.matmul %add3A, %get3A_9, %dot_general3A {dimension_numbers = #tpu.dot_dimension_numbers<[1], [0], [0], [1], [0, 0, 1, 1], [], []>, transpose_lhs_hint = false} : vector<6272x64xf32>, vector<64x8xf32>, vector<6272x8xf32> -> vector<6272x8xf32>
    %get3A_11 = arith.constant 0 : index
    %get3A_12 = arith.constant 0 : index
    %get3A_13 = vector.load %arg4[%get3A_11, %get3A_12] : memref<1x8xf32, #tpu.memory_space<vmem>>, vector<1x8xf32>
    %add3A_14 = vector.broadcast %get3A_13 : vector<1x8xf32> to vector<6272x8xf32>
    %add3A_15 = arith.addf %dot_general3A_10, %add3A_14 : vector<6272x8xf32>
    %max3A = arith.constant 0.000000e+00 : f32
    %max3A_16 = vector.broadcast %max3A : f32 to vector<6272x8xf32>
    %max3A_17 = arith.maximumf %add3A_15, %max3A_16 : vector<6272x8xf32>
    %get3A_18 = arith.constant 0 : index
    %get3A_19 = arith.constant 0 : index
    %get3A_20 = vector.load %arg5[%get3A_18, %get3A_19] : memref<8x128xf32, #tpu.memory_space<vmem>>, vector<8x128xf32>
    %dot_general3A_21 = arith.constant dense<0.000000e+00> : vector<6272x128xf32>
    %dot_general3A_22 = tpu.matmul %max3A_17, %get3A_20, %dot_general3A_21 {dimension_numbers = #tpu.dot_dimension_numbers<[1], [0], [0], [1], [0, 0, 1, 1], [], []>, transpose_lhs_hint = false} : vector<6272x8xf32>, vector<8x128xf32>, vector<6272x128xf32> -> vector<6272x128xf32>
    %get3A_23 = arith.constant 0 : index
    %get3A_24 = arith.constant 0 : index
    %get3A_25 = vector.load %arg6[%get3A_23, %get3A_24] : memref<1x128xf32, #tpu.memory_space<vmem>>, vector<1x128xf32>
    %add3A_26 = vector.broadcast %get3A_25 : vector<1x128xf32> to vector<6272x128xf32>
    %add3A_27 = arith.addf %dot_general3A_22, %add3A_26 : vector<6272x128xf32>
    %swap3A = arith.constant 0 : index
    %swap3A_28 = arith.constant 0 : index
    %swap3A_29 = vector.load %arg8[%swap3A, %swap3A_28] : memref<6272x128xf32, #tpu.memory_space<vmem>>, vector<6272x128xf32>
    tpu.vector_store %arg8[%swap3A, %swap3A_28], %add3A_27 {strides = array<i32>} : memref<6272x128xf32, #tpu.memory_space<vmem>>, vector<6272x128xf32>,
    %get3A_30 = arith.constant 0 : index
    %get3A_31 = arith.constant 0 : index
    %get3A_32 = vector.load %arg7[%get3A_30, %get3A_31] : memref<128x1xf32, #tpu.memory_space<vmem>>, vector<128x1xf32>
    %dot_general3A_33 = arith.constant dense<0.000000e+00> : vector<6272x1xf32>
    %dot_general3A_34 = tpu.matmul %add3A_27, %get3A_32, %dot_general3A_33 {dimension_numbers = #tpu.dot_dimension_numbers<[1], [0], [0], [1], [0, 0, 1, 1], [], []>, transpose_lhs_hint = false} : vector<6272x128xf32>, vector<128x1xf32>, vector<6272x1xf32> -> vector<6272x1xf32>
    %swap3A_35 = arith.constant 0 : index
    %swap3A_36 = arith.constant 0 : index
    %swap3A_37 = vector.load %arg9[%swap3A_35, %swap3A_36] : memref<6272x1xf32, #tpu.memory_space<vmem>>, vector<6272x1xf32>
    tpu.vector_store %arg9[%swap3A_35, %swap3A_36], %dot_general3A_34 {strides = array<i32>} : memref<6272x1xf32, #tpu.memory_space<vmem>>, vector<6272x1xf32>,
    return
  }
  func.func @transform_0(%arg0: i32) -> (i32, i32) {
    %c0_i32 = arith.constant 0 : i32
    %c0_i32_0 = arith.constant 0 : i32
    return %arg0, %c0_i32 : i32, i32
  }
  func.func @transform_1(%arg0: i32) -> (i32, i32) {
    %c0_i32 = arith.constant 0 : i32
    %c0_i32_0 = arith.constant 0 : i32
    return %arg0, %c0_i32 : i32, i32
  }
  func.func @transform_2(%arg0: i32) -> (i32, i32) {
    %c0_i32 = arith.constant 0 : i32
    %c0_i32_0 = arith.constant 0 : i32
    %c0_i32_1 = arith.constant 0 : i32
    return %c0_i32, %c0_i32_0 : i32, i32
  }
  func.func @transform_3(%arg0: i32) -> (i32, i32) {
    %c0_i32 = arith.constant 0 : i32
    %c0_i32_0 = arith.constant 0 : i32
    %c0_i32_1 = arith.constant 0 : i32
    return %c0_i32, %c0_i32_0 : i32, i32
  }
  func.func @transform_4(%arg0: i32) -> (i32, i32) {
    %c0_i32 = arith.constant 0 : i32
    %c0_i32_0 = arith.constant 0 : i32
    %c0_i32_1 = arith.constant 0 : i32
    return %c0_i32, %c0_i32_0 : i32, i32
  }
  func.func @transform_5(%arg0: i32) -> (i32, i32) {
    %c0_i32 = arith.constant 0 : i32
    %c0_i32_0 = arith.constant 0 : i32
    %c0_i32_1 = arith.constant 0 : i32
    return %c0_i32, %c0_i32_0 : i32, i32
  }
  func.func @transform_6(%arg0: i32) -> (i32, i32) {
    %c0_i32 = arith.constant 0 : i32
    %c0_i32_0 = arith.constant 0 : i32
    %c0_i32_1 = arith.constant 0 : i32
    return %c0_i32, %c0_i32_0 : i32, i32
  }
  func.func @transform_7(%arg0: i32) -> (i32, i32) {
    %c0_i32 = arith.constant 0 : i32
    %c0_i32_0 = arith.constant 0 : i32
    return %arg0, %c0_i32 : i32, i32
  }
  func.func @transform_8(%arg0: i32) -> (i32, i32) {
    %c0_i32 = arith.constant 0 : i32
    %c0_i32_0 = arith.constant 0 : i32
    return %arg0, %c0_i32 : i32, i32
  }
}

module attributes {stable_mosaic.version = 14 : i64} {
  func.func @_select2_kernel(%arg0: memref<392x128xf32, #tpu.memory_space<vmem>>, %arg1: memref<392x128xf32, #tpu.memory_space<vmem>>, %arg2: memref<392x128xf32, #tpu.memory_space<vmem>>, %arg3: memref<392x128xf32, #tpu.memory_space<vmem>>, %arg4: memref<392x128xf32, #tpu.memory_space<vmem>>) attributes {dimension_semantics = [], scalar_prefetch = 0 : i64, scratch_operands = 0 : i64, tpu.core_type = #tpu.core_type<tc>} {
    %get3A = arith.constant 0 : index
    %get3A_0 = arith.constant 0 : index
    %get3A_1 = vector.load %arg0[%get3A, %get3A_0] : memref<392x128xf32, #tpu.memory_space<vmem>>, vector<392x128xf32>
    %get3A_2 = arith.constant 0 : index
    %get3A_3 = arith.constant 0 : index
    %get3A_4 = vector.load %arg2[%get3A_2, %get3A_3] : memref<392x128xf32, #tpu.memory_space<vmem>>, vector<392x128xf32>
    %gt3A = arith.constant 0.000000e+00 : f32
    %gt3A_5 = vector.broadcast %gt3A : f32 to vector<392x128xf32>
    %gt3A_6 = arith.cmpf ogt, %get3A_4, %gt3A_5 : vector<392x128xf32>
    %bitcast_convert_type3A = tpu.bitcast %get3A_1 : vector<392x128xf32> -> vector<392x128xi32>
    %jit3A = arith.constant -1 : i32
    %broadcast_in_dim3A = vector.broadcast %jit3A : i32 to vector<392x128xi32>
    %select_n3A = arith.select %gt3A_6, %bitcast_convert_type3A, %broadcast_in_dim3A : vector<392x128xi1>, vector<392x128xi32>
    %get3A_7 = arith.constant 0 : index
    %get3A_8 = arith.constant 0 : index
    %get3A_9 = vector.load %arg1[%get3A_7, %get3A_8] : memref<392x128xf32, #tpu.memory_space<vmem>>, vector<392x128xf32>
    %bitcast_convert_type3A_10 = tpu.bitcast %get3A_9 : vector<392x128xf32> -> vector<392x128xi32>
    %iota3A = tpu.iota {dimensions = array<i32: 0>} : vector<392x128xi32>
    %iota3A_11 = tpu.iota {dimensions = array<i32: 1>} : vector<392x128xi32>
    %mul3A = arith.constant 128 : i32
    %mul3A_12 = vector.broadcast %mul3A : i32 to vector<392x128xi32>
    %mul3A_13 = arith.muli %iota3A, %mul3A_12 : vector<392x128xi32>
    %add3A = arith.addi %mul3A_13, %iota3A_11 : vector<392x128xi32>
    %broadcast_in_dim3A_14 = arith.constant true
    %broadcast_in_dim3A_15 = vector.broadcast %broadcast_in_dim3A_14 : i1 to vector<392x128xi1>
    %scan3A = arith.constant 0 : i32
    %scan3A_16 = arith.constant 0 : i32
    %scan3A_17 = arith.constant 31 : i32
    %scan3A_18 = arith.addi %scan3A_16, %scan3A_17 : i32
    %scan3A_19 = arith.constant 1 : i32
    %scan3A_20 = scf.for %scan3A_69 = %scan3A_16 to %scan3A_18 step %scan3A_19 iter_args(%scan3A_70 = %scan3A) -> (i32)  : i32 {
      %sub3A_71 = arith.constant 30 : i32
      %sub3A_72 = arith.subi %sub3A_71, %scan3A_69 : i32
      %shift_left3A = arith.constant 1 : i32
      %shift_left3A_73 = arith.shli %shift_left3A, %sub3A_72 : i32
      %or3A_74 = arith.ori %scan3A_70, %shift_left3A_73 : i32
      %ge3A = vector.broadcast %or3A_74 : i32 to vector<392x128xi32>
      %ge3A_75 = arith.cmpi sge, %select_n3A, %ge3A : vector<392x128xi32>
      %and3A_76 = arith.andi %broadcast_in_dim3A_15, %ge3A_75 : vector<392x128xi1>
      %jit3A_77 = arith.constant 1 : i32
      %jit3A_78 = arith.constant 0 : i32
      %broadcast_in_dim3A_79 = vector.broadcast %jit3A_77 : i32 to vector<392x128xi32>
      %broadcast_in_dim3A_80 = vector.broadcast %jit3A_78 : i32 to vector<392x128xi32>
      %select_n3A_81 = arith.select %and3A_76, %broadcast_in_dim3A_79, %broadcast_in_dim3A_80 : vector<392x128xi1>, vector<392x128xi32>
      %reduce_sum3A_82 = vector.shape_cast %select_n3A_81 : vector<392x128xi32> to vector<1x392x128xi32>
      %reduce_sum3A_83 = arith.constant dense<0> : vector<1xi32>
      %reduce_sum3A_84 = vector.multi_reduction <add>, %reduce_sum3A_82, %reduce_sum3A_83 [1, 2] : vector<1x392x128xi32> to vector<1xi32>
      %reduce_sum3A_85 = vector.shape_cast %reduce_sum3A_84 : vector<1xi32> to vector<1x1x1xi32>
      %reduce_sum3A_86 = vector.extract %reduce_sum3A_85[0, 0, 0] : i32 from vector<1x1x1xi32>
      %ge3A_87 = arith.constant 12500 : i32
      %ge3A_88 = arith.cmpi sge, %reduce_sum3A_86, %ge3A_87 : i32
      %select_n3A_89 = arith.select %ge3A_88, %or3A_74, %scan3A_70 : i32
      scf.yield %select_n3A_89 : i32
    }
    %scan3A_21 = arith.constant 31 : i32
    %gt3A_22 = vector.broadcast %scan3A_20 : i32 to vector<392x128xi32>
    %gt3A_23 = arith.cmpi sgt, %select_n3A, %gt3A_22 : vector<392x128xi32>
    %eq3A = vector.broadcast %scan3A_20 : i32 to vector<392x128xi32>
    %eq3A_24 = arith.cmpi eq, %select_n3A, %eq3A : vector<392x128xi32>
    %convert_element_type3A = arith.extui %gt3A_23 : vector<392x128xi1> to vector<392x128xi32>
    %reduce_sum3A = vector.shape_cast %convert_element_type3A : vector<392x128xi32> to vector<1x392x128xi32>
    %reduce_sum3A_25 = arith.constant dense<0> : vector<1xi32>
    %reduce_sum3A_26 = vector.multi_reduction <add>, %reduce_sum3A, %reduce_sum3A_25 [1, 2] : vector<1x392x128xi32> to vector<1xi32>
    %reduce_sum3A_27 = vector.shape_cast %reduce_sum3A_26 : vector<1xi32> to vector<1x1x1xi32>
    %reduce_sum3A_28 = vector.extract %reduce_sum3A_27[0, 0, 0] : i32 from vector<1x1x1xi32>
    %sub3A = arith.constant 12500 : i32
    %sub3A_29 = arith.subi %sub3A, %reduce_sum3A_28 : i32
    %scan3A_30 = arith.constant 0 : i32
    %scan3A_31 = arith.constant 0 : i32
    %scan3A_32 = arith.constant 31 : i32
    %scan3A_33 = arith.addi %scan3A_31, %scan3A_32 : i32
    %scan3A_34 = arith.constant 1 : i32
    %scan3A_35 = scf.for %scan3A_69 = %scan3A_31 to %scan3A_33 step %scan3A_34 iter_args(%scan3A_70 = %scan3A_30) -> (i32)  : i32 {
      %sub3A_71 = arith.constant 30 : i32
      %sub3A_72 = arith.subi %sub3A_71, %scan3A_69 : i32
      %shift_left3A = arith.constant 1 : i32
      %shift_left3A_73 = arith.shli %shift_left3A, %sub3A_72 : i32
      %or3A_74 = arith.ori %scan3A_70, %shift_left3A_73 : i32
      %ge3A = vector.broadcast %or3A_74 : i32 to vector<392x128xi32>
      %ge3A_75 = arith.cmpi sge, %bitcast_convert_type3A_10, %ge3A : vector<392x128xi32>
      %and3A_76 = arith.andi %eq3A_24, %ge3A_75 : vector<392x128xi1>
      %jit3A_77 = arith.constant 1 : i32
      %jit3A_78 = arith.constant 0 : i32
      %broadcast_in_dim3A_79 = vector.broadcast %jit3A_77 : i32 to vector<392x128xi32>
      %broadcast_in_dim3A_80 = vector.broadcast %jit3A_78 : i32 to vector<392x128xi32>
      %select_n3A_81 = arith.select %and3A_76, %broadcast_in_dim3A_79, %broadcast_in_dim3A_80 : vector<392x128xi1>, vector<392x128xi32>
      %reduce_sum3A_82 = vector.shape_cast %select_n3A_81 : vector<392x128xi32> to vector<1x392x128xi32>
      %reduce_sum3A_83 = arith.constant dense<0> : vector<1xi32>
      %reduce_sum3A_84 = vector.multi_reduction <add>, %reduce_sum3A_82, %reduce_sum3A_83 [1, 2] : vector<1x392x128xi32> to vector<1xi32>
      %reduce_sum3A_85 = vector.shape_cast %reduce_sum3A_84 : vector<1xi32> to vector<1x1x1xi32>
      %reduce_sum3A_86 = vector.extract %reduce_sum3A_85[0, 0, 0] : i32 from vector<1x1x1xi32>
      %ge3A_87 = arith.cmpi sge, %reduce_sum3A_86, %sub3A_29 : i32
      %select_n3A_88 = arith.select %ge3A_87, %or3A_74, %scan3A_70 : i32
      scf.yield %select_n3A_88 : i32
    }
    %scan3A_36 = arith.constant 31 : i32
    %gt3A_37 = vector.broadcast %scan3A_35 : i32 to vector<392x128xi32>
    %gt3A_38 = arith.cmpi sgt, %bitcast_convert_type3A_10, %gt3A_37 : vector<392x128xi32>
    %and3A = arith.andi %eq3A_24, %gt3A_38 : vector<392x128xi1>
    %eq3A_39 = vector.broadcast %scan3A_35 : i32 to vector<392x128xi32>
    %eq3A_40 = arith.cmpi eq, %bitcast_convert_type3A_10, %eq3A_39 : vector<392x128xi32>
    %and3A_41 = arith.andi %eq3A_24, %eq3A_40 : vector<392x128xi1>
    %convert_element_type3A_42 = arith.extui %and3A : vector<392x128xi1> to vector<392x128xi32>
    %reduce_sum3A_43 = vector.shape_cast %convert_element_type3A_42 : vector<392x128xi32> to vector<1x392x128xi32>
    %reduce_sum3A_44 = arith.constant dense<0> : vector<1xi32>
    %reduce_sum3A_45 = vector.multi_reduction <add>, %reduce_sum3A_43, %reduce_sum3A_44 [1, 2] : vector<1x392x128xi32> to vector<1xi32>
    %reduce_sum3A_46 = vector.shape_cast %reduce_sum3A_45 : vector<1xi32> to vector<1x1x1xi32>
    %reduce_sum3A_47 = vector.extract %reduce_sum3A_46[0, 0, 0] : i32 from vector<1x1x1xi32>
    %sub3A_48 = arith.subi %sub3A_29, %reduce_sum3A_47 : i32
    %scan3A_49 = arith.constant 0 : i32
    %scan3A_50 = arith.constant 0 : i32
    %scan3A_51 = arith.constant 16 : i32
    %scan3A_52 = arith.addi %scan3A_50, %scan3A_51 : i32
    %scan3A_53 = arith.constant 1 : i32
    %scan3A_54 = scf.for %scan3A_69 = %scan3A_50 to %scan3A_52 step %scan3A_53 iter_args(%scan3A_70 = %scan3A_49) -> (i32)  : i32 {
      %sub3A_71 = arith.constant 15 : i32
      %sub3A_72 = arith.subi %sub3A_71, %scan3A_69 : i32
      %shift_left3A = arith.constant 1 : i32
      %shift_left3A_73 = arith.shli %shift_left3A, %sub3A_72 : i32
      %or3A_74 = arith.ori %scan3A_70, %shift_left3A_73 : i32
      %lt3A = vector.broadcast %or3A_74 : i32 to vector<392x128xi32>
      %lt3A_75 = arith.cmpi slt, %add3A, %lt3A : vector<392x128xi32>
      %and3A_76 = arith.andi %and3A_41, %lt3A_75 : vector<392x128xi1>
      %jit3A_77 = arith.constant 1 : i32
      %jit3A_78 = arith.constant 0 : i32
      %broadcast_in_dim3A_79 = vector.broadcast %jit3A_77 : i32 to vector<392x128xi32>
      %broadcast_in_dim3A_80 = vector.broadcast %jit3A_78 : i32 to vector<392x128xi32>
      %select_n3A_81 = arith.select %and3A_76, %broadcast_in_dim3A_79, %broadcast_in_dim3A_80 : vector<392x128xi1>, vector<392x128xi32>
      %reduce_sum3A_82 = vector.shape_cast %select_n3A_81 : vector<392x128xi32> to vector<1x392x128xi32>
      %reduce_sum3A_83 = arith.constant dense<0> : vector<1xi32>
      %reduce_sum3A_84 = vector.multi_reduction <add>, %reduce_sum3A_82, %reduce_sum3A_83 [1, 2] : vector<1x392x128xi32> to vector<1xi32>
      %reduce_sum3A_85 = vector.shape_cast %reduce_sum3A_84 : vector<1xi32> to vector<1x1x1xi32>
      %reduce_sum3A_86 = vector.extract %reduce_sum3A_85[0, 0, 0] : i32 from vector<1x1x1xi32>
      %lt3A_87 = arith.cmpi slt, %reduce_sum3A_86, %sub3A_48 : i32
      %select_n3A_88 = arith.select %lt3A_87, %or3A_74, %scan3A_70 : i32
      scf.yield %select_n3A_88 : i32
    }
    %scan3A_55 = arith.constant 16 : i32
    %or3A = arith.ori %gt3A_23, %and3A : vector<392x128xi1>
    %le3A = vector.broadcast %scan3A_54 : i32 to vector<392x128xi32>
    %le3A_56 = arith.cmpi sle, %add3A, %le3A : vector<392x128xi32>
    %and3A_57 = arith.andi %and3A_41, %le3A_56 : vector<392x128xi1>
    %or3A_58 = arith.ori %or3A, %and3A_57 : vector<392x128xi1>
    %convert_element_type3A_59 = arith.extui %or3A_58 : vector<392x128xi1> to vector<392x128xi32>
    %convert_element_type3A_60 = arith.sitofp %convert_element_type3A_59 : vector<392x128xi32> to vector<392x128xf32>
    %swap3A = arith.constant 0 : index
    %swap3A_61 = arith.constant 0 : index
    %swap3A_62 = vector.load %arg4[%swap3A, %swap3A_61] : memref<392x128xf32, #tpu.memory_space<vmem>>, vector<392x128xf32>
    tpu.vector_store %arg4[%swap3A, %swap3A_61], %convert_element_type3A_60 {strides = array<i32>} : memref<392x128xf32, #tpu.memory_space<vmem>>, vector<392x128xf32>,
    %jit3A_63 = arith.constant 0.000000e+00 : f32
    %broadcast_in_dim3A_64 = vector.broadcast %jit3A_63 : f32 to vector<392x128xf32>
    %select_n3A_65 = arith.select %or3A_58, %get3A_1, %broadcast_in_dim3A_64 : vector<392x128xi1>, vector<392x128xf32>
    %swap3A_66 = arith.constant 0 : index
    %swap3A_67 = arith.constant 0 : index
    %swap3A_68 = vector.load %arg3[%swap3A_66, %swap3A_67] : memref<392x128xf32, #tpu.memory_space<vmem>>, vector<392x128xf32>
    tpu.vector_store %arg3[%swap3A_66, %swap3A_67], %select_n3A_65 {strides = array<i32>} : memref<392x128xf32, #tpu.memory_space<vmem>>, vector<392x128xf32>,
    return
  }
}

module attributes {stable_mosaic.version = 14 : i64} {
  func.func @_tail_kernel(%arg0: i32, %arg1: memref<6272x128xf32, #tpu.memory_space<vmem>>, %arg2: memref<6272x1xf32, #tpu.memory_space<vmem>>, %arg3: memref<6272x1xf32, #tpu.memory_space<vmem>>, %arg4: memref<1x128xf32, #tpu.memory_space<vmem>>, %arg5: memref<128x64xf32, #tpu.memory_space<vmem>>, %arg6: memref<128x64xf32, #tpu.memory_space<vmem>>, %arg7: memref<128x64xf32, #tpu.memory_space<vmem>>, %arg8: memref<1x64xf32, #tpu.memory_space<vmem>>, %arg9: memref<3x64x128xf32, #tpu.memory_space<vmem>>, %arg10: memref<3x1x128xf32, #tpu.memory_space<vmem>>, %arg11: memref<3x128x1xf32, #tpu.memory_space<vmem>>, %arg12: memref<3x1x1xf32, #tpu.memory_space<vmem>>, %arg13: memref<1x1xf32, #tpu.memory_space<vmem>>, %arg14: memref<1x1xf32, #tpu.memory_space<vmem>>, %arg15: memref<1x1xf32, #tpu.memory_space<vmem>>, %arg16: memref<1x128xf32, #tpu.memory_space<vmem>>, %arg17: memref<1x128xf32, #tpu.memory_space<vmem>>) attributes {dimension_semantics = [#tpu.dimension_semantics<arbitrary>], iteration_bounds = array<i64: 8>, scalar_prefetch = 0 : i64, scratch_operands = 2 : i64, tpu.core_type = #tpu.core_type<tc>, window_params = [{transform_indices = @transform_0, window_bounds = array<i64: 6272, 128>}, {transform_indices = @transform_1, window_bounds = array<i64: 6272, 1>}, {transform_indices = @transform_2, window_bounds = array<i64: 6272, 1>}, {pipeline_mode = #tpu.pipeline_mode<synchronous>, transform_indices = @transform_3, window_bounds = array<i64: 1, 128>}, {pipeline_mode = #tpu.pipeline_mode<synchronous>, transform_indices = @transform_4, window_bounds = array<i64: 128, 64>}, {pipeline_mode = #tpu.pipeline_mode<synchronous>, transform_indices = @transform_5, window_bounds = array<i64: 128, 64>}, {pipeline_mode = #tpu.pipeline_mode<synchronous>, transform_indices = @transform_6, window_bounds = array<i64: 128, 64>}, {pipeline_mode = #tpu.pipeline_mode<synchronous>, transform_indices = @transform_7, window_bounds = array<i64: 1, 64>}, {pipeline_mode = #tpu.pipeline_mode<synchronous>, transform_indices = @transform_8, window_bounds = array<i64: 3, 64, 128>}, {pipeline_mode = #tpu.pipeline_mode<synchronous>, transform_indices = @transform_9, window_bounds = array<i64: 3, 1, 128>}, {pipeline_mode = #tpu.pipeline_mode<synchronous>, transform_indices = @transform_10, window_bounds = array<i64: 3, 128, 1>}, {pipeline_mode = #tpu.pipeline_mode<synchronous>, transform_indices = @transform_11, window_bounds = array<i64: 3, 1, 1>}, {pipeline_mode = #tpu.pipeline_mode<synchronous>, transform_indices = @transform_12, window_bounds = array<i64: 1, 1>}, {pipeline_mode = #tpu.pipeline_mode<synchronous>, transform_indices = @transform_13, window_bounds = array<i64: 1, 1>}, {pipeline_mode = #tpu.pipeline_mode<synchronous>, transform_indices = @transform_14, window_bounds = array<i64: 1, 1>}]} {
    %get3A = arith.constant 0 : index
    %get3A_0 = arith.constant 0 : index
    %get3A_1 = vector.load %arg1[%get3A, %get3A_0] : memref<6272x128xf32, #tpu.memory_space<vmem>>, vector<6272x128xf32>
    %get3A_2 = arith.constant 0 : index
    %get3A_3 = arith.constant 0 : index
    %get3A_4 = vector.load %arg2[%get3A_2, %get3A_3] : memref<6272x1xf32, #tpu.memory_space<vmem>>, vector<6272x1xf32>
    %get3A_5 = arith.constant 0 : index
    %get3A_6 = arith.constant 0 : index
    %get3A_7 = vector.load %arg3[%get3A_5, %get3A_6] : memref<6272x1xf32, #tpu.memory_space<vmem>>, vector<6272x1xf32>
    %gt3A = arith.constant 0.000000e+00 : f32
    %gt3A_8 = vector.broadcast %gt3A : f32 to vector<6272x1xf32>
    %gt3A_9 = arith.cmpf ogt, %get3A_7, %gt3A_8 : vector<6272x1xf32>
    %mul3A = vector.broadcast %get3A_4 : vector<6272x1xf32> to vector<6272x128xf32>
    %mul3A_10 = arith.mulf %get3A_1, %mul3A : vector<6272x128xf32>
    %jit3A = arith.constant 0xFF800000 : f32
    %broadcast_in_dim3A = vector.shape_cast %gt3A_9 : vector<6272x1xi1> to vector<6272x1xi1>
    %broadcast_in_dim3A_11 = vector.broadcast %broadcast_in_dim3A : vector<6272x1xi1> to vector<6272x128xi1>
    %broadcast_in_dim3A_12 = vector.broadcast %jit3A : f32 to vector<6272x128xf32>
    %select_n3A = arith.select %broadcast_in_dim3A_11, %mul3A_10, %broadcast_in_dim3A_12 : vector<6272x128xi1>, vector<6272x128xf32>
    %reduce_max3A = arith.constant dense<0xFF800000> : vector<128xf32>
    %reduce_max3A_13 = vector.multi_reduction <maximumf>, %select_n3A, %reduce_max3A [0] : vector<6272x128xf32> to vector<128xf32>
    %broadcast_in_dim3A_14 = vector.shape_cast %reduce_max3A_13 : vector<128xf32> to vector<1x128xf32>
    %reduce_sum3A = arith.constant dense<0.000000e+00> : vector<128xf32>
    %reduce_sum3A_15 = vector.multi_reduction <add>, %mul3A_10, %reduce_sum3A [0] : vector<6272x128xf32> to vector<128xf32>
    %broadcast_in_dim3A_16 = vector.shape_cast %reduce_sum3A_15 : vector<128xf32> to vector<1x128xf32>
    %eq3A = arith.constant 0 : i32
    %eq3A_17 = arith.cmpi eq, %arg0, %eq3A : i32
    %convert_element_type3A = arith.extui %eq3A_17 : i1 to i32
    %cond3A = arith.constant 0 : i32
    %cond3A_18 = arith.cmpi ne, %convert_element_type3A, %cond3A : i32
    scf.if %cond3A_18 {
      %swap3A = arith.constant 0 : index
      %swap3A_29 = arith.constant 0 : index
      %swap3A_30 = vector.load %arg16[%swap3A, %swap3A_29] : memref<1x128xf32, #tpu.memory_space<vmem>>, vector<1x128xf32>
      tpu.vector_store %arg16[%swap3A, %swap3A_29], %broadcast_in_dim3A_14 {strides = array<i32>} : memref<1x128xf32, #tpu.memory_space<vmem>>, vector<1x128xf32>,
      %swap3A_31 = arith.constant 0 : index
      %swap3A_32 = arith.constant 0 : index
      %swap3A_33 = vector.load %arg17[%swap3A_31, %swap3A_32] : memref<1x128xf32, #tpu.memory_space<vmem>>, vector<1x128xf32>
      tpu.vector_store %arg17[%swap3A_31, %swap3A_32], %broadcast_in_dim3A_16 {strides = array<i32>} : memref<1x128xf32, #tpu.memory_space<vmem>>, vector<1x128xf32>,
    } else {
    }
    %gt3A_19 = arith.constant 0 : i32
    %gt3A_20 = arith.cmpi sgt, %arg0, %gt3A_19 : i32
    %convert_element_type3A_21 = arith.extui %gt3A_20 : i1 to i32
    %cond3A_22 = arith.constant 0 : i32
    %cond3A_23 = arith.cmpi ne, %convert_element_type3A_21, %cond3A_22 : i32
    scf.if %cond3A_23 {
      %get3A_29 = arith.constant 0 : index
      %get3A_30 = arith.constant 0 : index
      %get3A_31 = vector.load %arg16[%get3A_29, %get3A_30] : memref<1x128xf32, #tpu.memory_space<vmem>>, vector<1x128xf32>
      %max3A = arith.maximumf %get3A_31, %broadcast_in_dim3A_14 : vector<1x128xf32>
      %swap3A = arith.constant 0 : index
      %swap3A_32 = arith.constant 0 : index
      %swap3A_33 = vector.load %arg16[%swap3A, %swap3A_32] : memref<1x128xf32, #tpu.memory_space<vmem>>, vector<1x128xf32>
      tpu.vector_store %arg16[%swap3A, %swap3A_32], %max3A {strides = array<i32>} : memref<1x128xf32, #tpu.memory_space<vmem>>, vector<1x128xf32>,
      %get3A_34 = arith.constant 0 : index
      %get3A_35 = arith.constant 0 : index
      %get3A_36 = vector.load %arg17[%get3A_34, %get3A_35] : memref<1x128xf32, #tpu.memory_space<vmem>>, vector<1x128xf32>
      %add3A = arith.addf %get3A_36, %broadcast_in_dim3A_16 : vector<1x128xf32>
      %swap3A_37 = arith.constant 0 : index
      %swap3A_38 = arith.constant 0 : index
      %swap3A_39 = vector.load %arg17[%swap3A_37, %swap3A_38] : memref<1x128xf32, #tpu.memory_space<vmem>>, vector<1x128xf32>
      tpu.vector_store %arg17[%swap3A_37, %swap3A_38], %add3A {strides = array<i32>} : memref<1x128xf32, #tpu.memory_space<vmem>>, vector<1x128xf32>,
    } else {
    }
    %eq3A_24 = arith.constant 7 : i32
    %eq3A_25 = arith.cmpi eq, %arg0, %eq3A_24 : i32
    %convert_element_type3A_26 = arith.extui %eq3A_25 : i1 to i32
    %cond3A_27 = arith.constant 0 : i32
    %cond3A_28 = arith.cmpi ne, %convert_element_type3A_26, %cond3A_27 : i32
    scf.if %cond3A_28 {
      %get3A_29 = arith.constant 0 : index
      %get3A_30 = arith.constant 0 : index
      %get3A_31 = vector.load %arg16[%get3A_29, %get3A_30] : memref<1x128xf32, #tpu.memory_space<vmem>>, vector<1x128xf32>
      %get3A_32 = arith.constant 0 : index
      %get3A_33 = arith.constant 0 : index
      %get3A_34 = vector.load %arg17[%get3A_32, %get3A_33] : memref<1x128xf32, #tpu.memory_space<vmem>>, vector<1x128xf32>
      %div3A = arith.constant 1.250000e+04 : f32
      %div3A_35 = vector.broadcast %div3A : f32 to vector<1x128xf32>
      %div3A_36 = arith.divf %get3A_34, %div3A_35 : vector<1x128xf32>
      %get3A_37 = arith.constant 0 : index
      %get3A_38 = arith.constant 0 : index
      %get3A_39 = vector.load %arg4[%get3A_37, %get3A_38] : memref<1x128xf32, #tpu.memory_space<vmem>>, vector<1x128xf32>
      %get3A_40 = arith.constant 0 : index
      %get3A_41 = arith.constant 0 : index
      %get3A_42 = vector.load %arg5[%get3A_40, %get3A_41] : memref<128x64xf32, #tpu.memory_space<vmem>>, vector<128x64xf32>
      %dot_general3A = arith.constant dense<0.000000e+00> : vector<1x64xf32>
      %dot_general3A_43 = tpu.matmul %get3A_39, %get3A_42, %dot_general3A {dimension_numbers = #tpu.dot_dimension_numbers<[1], [0], [0], [1], [0, 0, 1, 1], [], []>, transpose_lhs_hint = false} : vector<1x128xf32>, vector<128x64xf32>, vector<1x64xf32> -> vector<1x64xf32>
      %get3A_44 = arith.constant 0 : index
      %get3A_45 = arith.constant 0 : index
      %get3A_46 = vector.load %arg6[%get3A_44, %get3A_45] : memref<128x64xf32, #tpu.memory_space<vmem>>, vector<128x64xf32>
      %dot_general3A_47 = arith.constant dense<0.000000e+00> : vector<1x64xf32>
      %dot_general3A_48 = tpu.matmul %get3A_31, %get3A_46, %dot_general3A_47 {dimension_numbers = #tpu.dot_dimension_numbers<[1], [0], [0], [1], [0, 0, 1, 1], [], []>, transpose_lhs_hint = false} : vector<1x128xf32>, vector<128x64xf32>, vector<1x64xf32> -> vector<1x64xf32>
      %add3A = arith.addf %dot_general3A_43, %dot_general3A_48 : vector<1x64xf32>
      %get3A_49 = arith.constant 0 : index
      %get3A_50 = arith.constant 0 : index
      %get3A_51 = vector.load %arg7[%get3A_49, %get3A_50] : memref<128x64xf32, #tpu.memory_space<vmem>>, vector<128x64xf32>
      %dot_general3A_52 = arith.constant dense<0.000000e+00> : vector<1x64xf32>
      %dot_general3A_53 = tpu.matmul %div3A_36, %get3A_51, %dot_general3A_52 {dimension_numbers = #tpu.dot_dimension_numbers<[1], [0], [0], [1], [0, 0, 1, 1], [], []>, transpose_lhs_hint = false} : vector<1x128xf32>, vector<128x64xf32>, vector<1x64xf32> -> vector<1x64xf32>
      %add3A_54 = arith.addf %add3A, %dot_general3A_53 : vector<1x64xf32>
      %get3A_55 = arith.constant 0 : index
      %get3A_56 = arith.constant 0 : index
      %get3A_57 = vector.load %arg8[%get3A_55, %get3A_56] : memref<1x64xf32, #tpu.memory_space<vmem>>, vector<1x64xf32>
      %add3A_58 = arith.addf %add3A_54, %get3A_57 : vector<1x64xf32>
      %max3A = arith.constant 0.000000e+00 : f32
      %max3A_59 = vector.broadcast %max3A : f32 to vector<1x64xf32>
      %max3A_60 = arith.maximumf %add3A_58, %max3A_59 : vector<1x64xf32>
      %get3A_61 = arith.constant 0 : index
      %get3A_62 = arith.constant 0 : index
      %get3A_63 = arith.constant 0 : index
      %get3A_64 = vector.load %arg9[%get3A_61, %get3A_62, %get3A_63] : memref<3x64x128xf32, #tpu.memory_space<vmem>>, vector<1x64x128xf32>
      %get3A_65 = vector.shape_cast %get3A_64 : vector<1x64x128xf32> to vector<64x128xf32>
      %dot_general3A_66 = arith.constant dense<0.000000e+00> : vector<1x128xf32>
      %dot_general3A_67 = tpu.matmul %max3A_60, %get3A_65, %dot_general3A_66 {dimension_numbers = #tpu.dot_dimension_numbers<[1], [0], [0], [1], [0, 0, 1, 1], [], []>, transpose_lhs_hint = false} : vector<1x64xf32>, vector<64x128xf32>, vector<1x128xf32> -> vector<1x128xf32>
      %get3A_68 = arith.constant 0 : index
      %get3A_69 = arith.constant 0 : index
      %get3A_70 = arith.constant 0 : index
      %get3A_71 = vector.load %arg10[%get3A_68, %get3A_69, %get3A_70] : memref<3x1x128xf32, #tpu.memory_space<vmem>>, vector<1x1x128xf32>
      %get3A_72 = vector.shape_cast %get3A_71 : vector<1x1x128xf32> to vector<1x128xf32>
      %add3A_73 = arith.addf %dot_general3A_67, %get3A_72 : vector<1x128xf32>
      %max3A_74 = arith.constant 0.000000e+00 : f32
      %max3A_75 = vector.broadcast %max3A_74 : f32 to vector<1x128xf32>
      %max3A_76 = arith.maximumf %add3A_73, %max3A_75 : vector<1x128xf32>
      %get3A_77 = arith.constant 0 : index
      %get3A_78 = arith.constant 0 : index
      %get3A_79 = arith.constant 0 : index
      %get3A_80 = vector.load %arg11[%get3A_77, %get3A_78, %get3A_79] : memref<3x128x1xf32, #tpu.memory_space<vmem>>, vector<1x128x1xf32>
      %get3A_81 = vector.shape_cast %get3A_80 : vector<1x128x1xf32> to vector<128x1xf32>
      %dot_general3A_82 = arith.constant dense<0.000000e+00> : vector<1x1xf32>
      %dot_general3A_83 = tpu.matmul %max3A_76, %get3A_81, %dot_general3A_82 {dimension_numbers = #tpu.dot_dimension_numbers<[1], [0], [0], [1], [0, 0, 1, 1], [], []>, transpose_lhs_hint = false} : vector<1x128xf32>, vector<128x1xf32>, vector<1x1xf32> -> vector<1x1xf32>
      %get3A_84 = arith.constant 0 : index
      %get3A_85 = arith.constant 0 : index
      %get3A_86 = arith.constant 0 : index
      %get3A_87 = vector.load %arg12[%get3A_84, %get3A_85, %get3A_86] : memref<3x1x1xf32, #tpu.memory_space<vmem>>, vector<1x1x1xf32>
      %get3A_88 = vector.extract %get3A_87[0, 0, 0] : f32 from vector<1x1x1xf32>
      %add3A_89 = vector.broadcast %get3A_88 : f32 to vector<1x1xf32>
      %add3A_90 = arith.addf %dot_general3A_83, %add3A_89 : vector<1x1xf32>
      %neg3A = arith.constant 0.000000e+00 : f32
      %neg3A_91 = vector.broadcast %neg3A : f32 to vector<1x1xf32>
      %neg3A_92 = arith.subf %neg3A_91, %add3A_90 : vector<1x1xf32>
      %exp3A = math.exp %neg3A_92 : vector<1x1xf32>
      %add3A_93 = arith.constant 1.000000e+00 : f32
      %add3A_94 = vector.broadcast %add3A_93 : f32 to vector<1x1xf32>
      %add3A_95 = arith.addf %add3A_94, %exp3A : vector<1x1xf32>
      %div3A_96 = arith.constant 1.000000e+00 : f32
      %div3A_97 = vector.broadcast %div3A_96 : f32 to vector<1x1xf32>
      %div3A_98 = arith.divf %div3A_97, %add3A_95 : vector<1x1xf32>
      %swap3A = arith.constant 0 : index
      %swap3A_99 = arith.constant 0 : index
      %swap3A_100 = vector.load %arg13[%swap3A, %swap3A_99] : memref<1x1xf32, #tpu.memory_space<vmem>>, vector<1x1xf32>
      tpu.vector_store %arg13[%swap3A, %swap3A_99], %div3A_98 {strides = array<i32>} : memref<1x1xf32, #tpu.memory_space<vmem>>, vector<1x1xf32>,
      %get3A_101 = arith.constant 1 : index
      %get3A_102 = arith.constant 0 : index
      %get3A_103 = arith.constant 0 : index
      %get3A_104 = vector.load %arg9[%get3A_101, %get3A_102, %get3A_103] : memref<3x64x128xf32, #tpu.memory_space<vmem>>, vector<1x64x128xf32>
      %get3A_105 = vector.shape_cast %get3A_104 : vector<1x64x128xf32> to vector<64x128xf32>
      %dot_general3A_106 = arith.constant dense<0.000000e+00> : vector<1x128xf32>
      %dot_general3A_107 = tpu.matmul %max3A_60, %get3A_105, %dot_general3A_106 {dimension_numbers = #tpu.dot_dimension_numbers<[1], [0], [0], [1], [0, 0, 1, 1], [], []>, transpose_lhs_hint = false} : vector<1x64xf32>, vector<64x128xf32>, vector<1x128xf32> -> vector<1x128xf32>
      %get3A_108 = arith.constant 1 : index
      %get3A_109 = arith.constant 0 : index
      %get3A_110 = arith.constant 0 : index
      %get3A_111 = vector.load %arg10[%get3A_108, %get3A_109, %get3A_110] : memref<3x1x128xf32, #tpu.memory_space<vmem>>, vector<1x1x128xf32>
      %get3A_112 = vector.shape_cast %get3A_111 : vector<1x1x128xf32> to vector<1x128xf32>
      %add3A_113 = arith.addf %dot_general3A_107, %get3A_112 : vector<1x128xf32>
      %max3A_114 = arith.constant 0.000000e+00 : f32
      %max3A_115 = vector.broadcast %max3A_114 : f32 to vector<1x128xf32>
      %max3A_116 = arith.maximumf %add3A_113, %max3A_115 : vector<1x128xf32>
      %get3A_117 = arith.constant 1 : index
      %get3A_118 = arith.constant 0 : index
      %get3A_119 = arith.constant 0 : index
      %get3A_120 = vector.load %arg11[%get3A_117, %get3A_118, %get3A_119] : memref<3x128x1xf32, #tpu.memory_space<vmem>>, vector<1x128x1xf32>
      %get3A_121 = vector.shape_cast %get3A_120 : vector<1x128x1xf32> to vector<128x1xf32>
      %dot_general3A_122 = arith.constant dense<0.000000e+00> : vector<1x1xf32>
      %dot_general3A_123 = tpu.matmul %max3A_116, %get3A_121, %dot_general3A_122 {dimension_numbers = #tpu.dot_dimension_numbers<[1], [0], [0], [1], [0, 0, 1, 1], [], []>, transpose_lhs_hint = false} : vector<1x128xf32>, vector<128x1xf32>, vector<1x1xf32> -> vector<1x1xf32>
      %get3A_124 = arith.constant 1 : index
      %get3A_125 = arith.constant 0 : index
      %get3A_126 = arith.constant 0 : index
      %get3A_127 = vector.load %arg12[%get3A_124, %get3A_125, %get3A_126] : memref<3x1x1xf32, #tpu.memory_space<vmem>>, vector<1x1x1xf32>
      %get3A_128 = vector.extract %get3A_127[0, 0, 0] : f32 from vector<1x1x1xf32>
      %add3A_129 = vector.broadcast %get3A_128 : f32 to vector<1x1xf32>
      %add3A_130 = arith.addf %dot_general3A_123, %add3A_129 : vector<1x1xf32>
      %swap3A_131 = arith.constant 0 : index
      %swap3A_132 = arith.constant 0 : index
      %swap3A_133 = vector.load %arg14[%swap3A_131, %swap3A_132] : memref<1x1xf32, #tpu.memory_space<vmem>>, vector<1x1xf32>
      tpu.vector_store %arg14[%swap3A_131, %swap3A_132], %add3A_130 {strides = array<i32>} : memref<1x1xf32, #tpu.memory_space<vmem>>, vector<1x1xf32>,
      %get3A_134 = arith.constant 2 : index
      %get3A_135 = arith.constant 0 : index
      %get3A_136 = arith.constant 0 : index
      %get3A_137 = vector.load %arg9[%get3A_134, %get3A_135, %get3A_136] : memref<3x64x128xf32, #tpu.memory_space<vmem>>, vector<1x64x128xf32>
      %get3A_138 = vector.shape_cast %get3A_137 : vector<1x64x128xf32> to vector<64x128xf32>
      %dot_general3A_139 = arith.constant dense<0.000000e+00> : vector<1x128xf32>
      %dot_general3A_140 = tpu.matmul %max3A_60, %get3A_138, %dot_general3A_139 {dimension_numbers = #tpu.dot_dimension_numbers<[1], [0], [0], [1], [0, 0, 1, 1], [], []>, transpose_lhs_hint = false} : vector<1x64xf32>, vector<64x128xf32>, vector<1x128xf32> -> vector<1x128xf32>
      %get3A_141 = arith.constant 2 : index
      %get3A_142 = arith.constant 0 : index
      %get3A_143 = arith.constant 0 : index
      %get3A_144 = vector.load %arg10[%get3A_141, %get3A_142, %get3A_143] : memref<3x1x128xf32, #tpu.memory_space<vmem>>, vector<1x1x128xf32>
      %get3A_145 = vector.shape_cast %get3A_144 : vector<1x1x128xf32> to vector<1x128xf32>
      %add3A_146 = arith.addf %dot_general3A_140, %get3A_145 : vector<1x128xf32>
      %max3A_147 = arith.constant 0.000000e+00 : f32
      %max3A_148 = vector.broadcast %max3A_147 : f32 to vector<1x128xf32>
      %max3A_149 = arith.maximumf %add3A_146, %max3A_148 : vector<1x128xf32>
      %get3A_150 = arith.constant 2 : index
      %get3A_151 = arith.constant 0 : index
      %get3A_152 = arith.constant 0 : index
      %get3A_153 = vector.load %arg11[%get3A_150, %get3A_151, %get3A_152] : memref<3x128x1xf32, #tpu.memory_space<vmem>>, vector<1x128x1xf32>
      %get3A_154 = vector.shape_cast %get3A_153 : vector<1x128x1xf32> to vector<128x1xf32>
      %dot_general3A_155 = arith.constant dense<0.000000e+00> : vector<1x1xf32>
      %dot_general3A_156 = tpu.matmul %max3A_149, %get3A_154, %dot_general3A_155 {dimension_numbers = #tpu.dot_dimension_numbers<[1], [0], [0], [1], [0, 0, 1, 1], [], []>, transpose_lhs_hint = false} : vector<1x128xf32>, vector<128x1xf32>, vector<1x1xf32> -> vector<1x1xf32>
      %get3A_157 = arith.constant 2 : index
      %get3A_158 = arith.constant 0 : index
      %get3A_159 = arith.constant 0 : index
      %get3A_160 = vector.load %arg12[%get3A_157, %get3A_158, %get3A_159] : memref<3x1x1xf32, #tpu.memory_space<vmem>>, vector<1x1x1xf32>
      %get3A_161 = vector.extract %get3A_160[0, 0, 0] : f32 from vector<1x1x1xf32>
      %add3A_162 = vector.broadcast %get3A_161 : f32 to vector<1x1xf32>
      %add3A_163 = arith.addf %dot_general3A_156, %add3A_162 : vector<1x1xf32>
      %swap3A_164 = arith.constant 0 : index
      %swap3A_165 = arith.constant 0 : index
      %swap3A_166 = vector.load %arg15[%swap3A_164, %swap3A_165] : memref<1x1xf32, #tpu.memory_space<vmem>>, vector<1x1xf32>
      tpu.vector_store %arg15[%swap3A_164, %swap3A_165], %add3A_163 {strides = array<i32>} : memref<1x1xf32, #tpu.memory_space<vmem>>, vector<1x1xf32>,
    } else {
    }
    return
  }
  func.func @transform_0(%arg0: i32) -> (i32, i32) {
    %c0_i32 = arith.constant 0 : i32
    %c0_i32_0 = arith.constant 0 : i32
    return %arg0, %c0_i32 : i32, i32
  }
  func.func @transform_1(%arg0: i32) -> (i32, i32) {
    %c0_i32 = arith.constant 0 : i32
    %c0_i32_0 = arith.constant 0 : i32
    return %arg0, %c0_i32 : i32, i32
  }
  func.func @transform_2(%arg0: i32) -> (i32, i32) {
    %c0_i32 = arith.constant 0 : i32
    %c0_i32_0 = arith.constant 0 : i32
    return %arg0, %c0_i32 : i32, i32
  }
  func.func @transform_3(%arg0: i32) -> (i32, i32) {
    %c0_i32 = arith.constant 0 : i32
    %c0_i32_0 = arith.constant 0 : i32
    %c0_i32_1 = arith.constant 0 : i32
    return %c0_i32, %c0_i32_0 : i32, i32
  }
  func.func @transform_4(%arg0: i32) -> (i32, i32) {
    %c0_i32 = arith.constant 0 : i32
    %c0_i32_0 = arith.constant 0 : i32
    %c0_i32_1 = arith.constant 0 : i32
    return %c0_i32, %c0_i32_0 : i32, i32
  }
  func.func @transform_5(%arg0: i32) -> (i32, i32) {
    %c0_i32 = arith.constant 0 : i32
    %c0_i32_0 = arith.constant 0 : i32
    %c0_i32_1 = arith.constant 0 : i32
    return %c0_i32, %c0_i32_0 : i32, i32
  }
  func.func @transform_6(%arg0: i32) -> (i32, i32) {
    %c0_i32 = arith.constant 0 : i32
    %c0_i32_0 = arith.constant 0 : i32
    %c0_i32_1 = arith.constant 0 : i32
    return %c0_i32, %c0_i32_0 : i32, i32
  }
  func.func @transform_7(%arg0: i32) -> (i32, i32) {
    %c0_i32 = arith.constant 0 : i32
    %c0_i32_0 = arith.constant 0 : i32
    %c0_i32_1 = arith.constant 0 : i32
    return %c0_i32, %c0_i32_0 : i32, i32
  }
  func.func @transform_8(%arg0: i32) -> (i32, i32, i32) {
    %c0_i32 = arith.constant 0 : i32
    %c0_i32_0 = arith.constant 0 : i32
    %c0_i32_1 = arith.constant 0 : i32
    %c0_i32_2 = arith.constant 0 : i32
    return %c0_i32, %c0_i32_0, %c0_i32_1 : i32, i32, i32
  }
  func.func @transform_9(%arg0: i32) -> (i32, i32, i32) {
    %c0_i32 = arith.constant 0 : i32
    %c0_i32_0 = arith.constant 0 : i32
    %c0_i32_1 = arith.constant 0 : i32
    %c0_i32_2 = arith.constant 0 : i32
    return %c0_i32, %c0_i32_0, %c0_i32_1 : i32, i32, i32
  }
  func.func @transform_10(%arg0: i32) -> (i32, i32, i32) {
    %c0_i32 = arith.constant 0 : i32
    %c0_i32_0 = arith.constant 0 : i32
    %c0_i32_1 = arith.constant 0 : i32
    %c0_i32_2 = arith.constant 0 : i32
    return %c0_i32, %c0_i32_0, %c0_i32_1 : i32, i32, i32
  }
  func.func @transform_11(%arg0: i32) -> (i32, i32, i32) {
    %c0_i32 = arith.constant 0 : i32
    %c0_i32_0 = arith.constant 0 : i32
    %c0_i32_1 = arith.constant 0 : i32
    %c0_i32_2 = arith.constant 0 : i32
    return %c0_i32, %c0_i32_0, %c0_i32_1 : i32, i32, i32
  }
  func.func @transform_12(%arg0: i32) -> (i32, i32) {
    %c0_i32 = arith.constant 0 : i32
    %c0_i32_0 = arith.constant 0 : i32
    %c0_i32_1 = arith.constant 0 : i32
    return %c0_i32, %c0_i32_0 : i32, i32
  }
  func.func @transform_13(%arg0: i32) -> (i32, i32) {
    %c0_i32 = arith.constant 0 : i32
    %c0_i32_0 = arith.constant 0 : i32
    %c0_i32_1 = arith.constant 0 : i32
    return %c0_i32, %c0_i32_0 : i32, i32
  }
  func.func @transform_14(%arg0: i32) -> (i32, i32) {
    %c0_i32 = arith.constant 0 : i32
    %c0_i32_0 = arith.constant 0 : i32
    %c0_i32_1 = arith.constant 0 : i32
    return %c0_i32, %c0_i32_0 : i32, i32
  }
}

</mosaic_0001>

<sc_bundles>
// kernel: kernel.10.cloned.1.call-start
scs
__scs_entry_jumppad:
0x0: {  	(pc) =	sbr.rel $0x88, $3  }
0x1: {  	(tag) =	ssettag $0x0;
	lr =	simm.s32 $0x1  }
0x2: {  	[smem:$0x3F87] =	sst lr;
	_ =	strace $0xD0000000  }
0x3: {  	_ = 	snop  }
0x4: {  	_ = 	snop  }
0x5: {  	_ = 	snop  }
0x6: {  	_ = 	snop  }
0x7: {  	_ = 	snop  }
__scs_overlays_trampoline_lowered:
0x8: {  	[smem:$0x3F96] =	sst s0  }
0x9: {  	[smem:$0x3F97] =	sst s1  }
0xa: {  	[smem:$0x3F98] =	sst s2  }
0xb: {  	[smem:$0x3F99] =	sst s3  }
0xc: {  	[smem:$0x3F9A] =	sst s4  }
0xd: {  	[smem:$0x3F9B] =	sst s5  }
0xe: {  	[smem:$0x3F9C] =	sst s6  }
0xf: {  	[smem:$0x3F9D] =	sst s7  }
0x10: {  	[smem:$0x3F9E] =	sst s8  }
0x11: {  	[smem:$0x3F9F] =	sst s9;
	s0 =	simm.s32 @!p0 $0x0  }
0x12: {  	s1 =	sld [smem:$0x3F85];
	s0 =	simm.s32 @p0 $0x1  }
0x13: {  	[smem:$0x3FA0] =	sst s0;
	s0 =	simm.s32 @!p1 $0x0  }
0x14: {  	s2 =	sld [smem:$0x3F84];
	s0 =	simm.s32 @p1 $0x1  }
0x15: {  	[smem:$0x3FA1] =	sst s0;
	s0 =	simm.s32 @!p2 $0x0  }
0x16: {  	s3 =	sld [smem:$0x3FDB];
	s0 =	simm.s32 @p2 $0x1  }
0x17: {  	s4 =	simm.s32 $0x1BF5;
	[smem:$0x3FA3] =	sst s0  }
0x18: {  	s0 =	sld [smem:$0x3F86];
	_ =	swait.ge [sflag:s4], $0x0  }
0x19: {  	s7 =	sld [smem:$0x3F87]  }
0x1a: {  	s8 =	sadd.s32 $0xFFFFE003, lr  }
0x1b: {  	s9 =	sadd.s32 $0xFFFFFEF7, lr;
	s5 =	simm.s32 $0xFFFFFFFF;
	p2 =	slt.u32 s8, $0xFFFFF086  }
0x1c: {  	p1 =	slt.u32 s9, $0xF7A;
	s5 =	simm.s32 @!p2 $0x0  }
0x1d: {  	s5 =	simm.s32 @p1 $0x1;
	p0 =	seq.s32 s7, s2  }
0x1e: {  	s7 =	smul.u32 @!p0 $0xF7A, s2;
	p2 =	seq.s32 @!p0 s5, $0x0  }
0x1f: {  	s9 =	smul.u32 $0xF7A, s1;
	s8 =	simm.s32 @!p0 $0x1BF5;
	p2 =	por !p2, p0  }
0x20: {  	[sflag:s8] =	ssyncset.s32 @!p0 $0xFFFFF086;
	s6 =	sadd.s32 @!p0 s3, s7;
	s7 =	simm.s32 @!p0 $0x108  }
0x21: {  	s3 =	sadd.s32 s3, s9;
	s6 =	sadd.s32 @!p0 $0x88, s6;
	s7 =	simm.s32 @p2 $0x1082  }
0x22: {  	[simem:s7], [sflag:s8] =	dma.local @!p0 [hbm:s6], $0xF7A  }
0x23: {  	s9 =	sor.u32 $0xD0000000, s2;
	s6 =	simm.s32 $0x108;
	_ =	swait.ge @!p0 [sflag:s8], $0x0  }
0x24: {  	s3 =	sadd.s32 $0x88, s3;
	s6 =	simm.s32 @!p1 $0x1082;
	[sflag:s4] =	ssyncset.s32 $0xFFFFF086  }
0x25: {  	[simem:s6], [sflag:s4] =	dma.local [hbm:s3], $0xF7A  }
0x26: {  	[smem:$0x3F87] =	sst s1;
	(tag) =	ssettag s2;
	_ =	strace s9  }
0x27: {  	s1 =	sld [smem:$0x3F97]  }
0x28: {  	s2 =	sld [smem:$0x3F98]  }
0x29: {  	s4 =	sld [smem:$0x3F9A]  }
0x2a: {  	p0 =	seq.s32 s5, $0x0;
	s5 =	sld [smem:$0x3F9B]  }
0x2b: {  	s6 =	sld [smem:$0x3F9C]  }
0x2c: {  	s7 =	sld [smem:$0x3F9D]  }
0x2d: {  	s3 =	simm.s32 $0x108;
	s8 =	sld [smem:$0x3F9E]  }
0x2e: {  	s3 =	simm.s32 @!p0 $0x1082;
	s9 =	sld [smem:$0x3F9F]  }
0x2f: {  	lr =	sadd.s32 s0, s3;
	s0 =	sld [smem:$0x3F96]  }
0x30: {  	s3 =	sld [smem:$0x3F99]  }
0x31: {  	[smem:$0x3FA2] =	sst s10  }
0x32: {  	s10 =	sld [smem:$0x3FA0];
	_ =	sdelay $0x3  }
0x33: {  	p0 =	seq.s32 s10, $0x1;
	s10 =	sld [smem:$0x3FA2];
	_ =	sdelay $0x3  }
0x34: {  	[smem:$0x3FA2] =	sst s10  }
0x35: {  	s10 =	sld [smem:$0x3FA1];
	_ =	sdelay $0x3  }
0x36: {  	p1 =	seq.s32 s10, $0x1;
	s10 =	sld [smem:$0x3FA2];
	_ =	sdelay $0x3  }
0x37: {  	[smem:$0x3FA2] =	sst s10  }
0x38: {  	s10 =	sld [smem:$0x3FA3]  }
0x39: {  	_ = 	snop;
	(pc) =	sbr.ind lr, $3  }
0x3a: {  	_ = 	snop  }
0x3b: {  	_ = 	snop  }
0x3c: {  	p2 =	seq.s32 s10, $0x1;
	s10 =	sld [smem:$0x3FA2]  }
0x3d: {  	_ =	shalt  }
0x3e: {  	_ =	shalt  }
0x3f: {  	_ =	shalt  }
0x40: {  	_ =	shalt  }
0x41: {  	_ =	shalt  }
0x42: {  	_ =	shalt  }
0x43: {  	_ =	shalt  }
0x44: {  	_ =	shalt  }
0x45: {  	_ =	shalt  }
0x46: {  	_ =	shalt  }
0x47: {  	_ =	shalt  }
0x48: {  	_ =	shalt  }
0x49: {  	_ =	shalt  }
0x4a: {  	_ =	shalt  }
0x4b: {  	_ =	shalt  }
0x4c: {  	_ =	shalt  }
0x4d: {  	_ =	shalt  }
0x4e: {  	_ =	shalt  }
0x4f: {  	_ =	shalt  }
0x50: {  	_ =	shalt  }
0x51: {  	_ =	shalt  }
0x52: {  	_ =	shalt  }
0x53: {  	_ =	shalt  }
0x54: {  	_ =	shalt  }
0x55: {  	_ =	shalt  }
0x56: {  	_ =	shalt  }
0x57: {  	_ =	shalt  }
0x58: {  	_ =	shalt  }
0x59: {  	_ =	shalt  }
0x5a: {  	_ =	shalt  }
0x5b: {  	_ =	shalt  }
0x5c: {  	_ =	shalt  }
0x5d: {  	_ =	shalt  }
0x5e: {  	_ =	shalt  }
0x5f: {  	_ =	shalt  }
0x60: {  	_ =	shalt  }
0x61: {  	_ =	shalt  }
0x62: {  	_ =	shalt  }
0x63: {  	_ =	shalt  }
0x64: {  	_ =	shalt  }
0x65: {  	_ =	shalt  }
0x66: {  	_ =	shalt  }
0x67: {  	_ =	shalt  }
0x68: {  	_ =	shalt  }
0x69: {  	_ =	shalt  }
0x6a: {  	_ =	shalt  }
0x6b: {  	_ =	shalt  }
0x6c: {  	_ =	shalt  }
0x6d: {  	_ =	shalt  }
0x6e: {  	_ =	shalt  }
0x6f: {  	_ =	shalt  }
0x70: {  	_ =	shalt  }
0x71: {  	_ =	shalt  }
0x72: {  	_ =	shalt  }
0x73: {  	_ =	shalt  }
0x74: {  	_ =	shalt  }
0x75: {  	_ =	shalt  }
0x76: {  	_ =	shalt  }
0x77: {  	_ =	shalt  }
0x78: {  	_ =	shalt  }
0x79: {  	_ =	shalt  }
0x7a: {  	_ =	shalt  }
0x7b: {  	_ =	shalt  }
0x7c: {  	_ =	shalt  }
0x7d: {  	_ =	shalt  }
0x7e: {  	_ =	shalt  }
0x7f: {  	_ =	shalt  }
0x80: {  	_ =	shalt  }
0x81: {  	_ =	shalt  }
0x82: {  	_ =	shalt  }
0x83: {  	_ =	shalt  }
0x84: {  	_ =	shalt  }
0x85: {  	_ =	shalt  }
0x86: {  	_ =	shalt  }
0x87: {  	_ =	shalt  }
.Lfunc_end0:
.L_simem_size_0:
called_computation_lowered:
.L_overlay_start_0:
0x88: {  	s2 =	sld [smem:$0x3FD9]  }
0x89: {  	s3 =	sld [smem:$0x3FFE];
	_ =	sdelay $0x1  }
0x8a: {  	s1 =	srdreg.scid  }
0x8b: {  	s0 =	sand.u32 $0x1, s1  }
0x8c: {  	s16 =	sshll.u32 s0, $0xA;
	s2 =	sadd.s32 s3, s2  }
0x8d: {  	s2 =	sadd.s32 s2, s16  }
0x8e: {  	[smem:$0x3FAE] =	sst s2  }
0x8f: {  	_ = 	snop  }
0x90: {  	(tm) =	ssettm $0x1  }
0x91: {  	s17 =	sld [smem:$0x3FFB];
	_ =	sdelay $0x3  }
0x92: {  	_ =	strace s17  }
0x93: {  	s2 =	sld [smem:$0x3FFC];
	_ =	sdelay $0x3  }
0x94: {  	_ =	strace s2  }
0x95: {  	s2 =	sld [smem:$0x3FFD];
	_ =	sdelay $0x3  }
0x96: {  	_ =	strace s2  }
0x97: {  	_ =	strace $0x8FFFFFFF  }
0x98: {  	s18 =	sld [smem:$0x3FDB];
	_ =	sdelay $0x1  }
0x99: {  	s19 =	simm.s32 $_scs_section_size  }
0x9a: {  	s4 =	simm.s32 $_size__tile_overlayer_lowered;
	s5 =	simm.s32 $_tile_overlayer_lowered  }
0x9b: {  	s22 =	simm.s32 $0x1BFF;
	s21 =	sshll.u32 s5, $0x1;
	s2 =	sadd.s32 s19, s18  }
0x9c: {  	s6 =	simm.s32 $0x0;
	s20 =	sshll.u32 s4, $0x1;
	s4 =	sadd.s32 s21, s2  }
0x9d: {  	[timem:s6], [sflag:s22] =	dma.local [hbm:s4], s20  }
0x9e: {  	_ =	swait.ge [sflag:s22], s20  }
0x9f: {  	s3 =	ssub.s32 $0x0, s20;
	[sflag:s22] =	ssyncset.done $0x0  }
0xa0: {  	[sflag:s22] =	ssyncadd.s32 s3;
	_ =	sdelay $0x1  }
0xa1: {  	s23 =	simm.s32 $0x1B8B  }
0xa2: {  	_ =	swait.ge [sflag:s23], $0x1  }
0xa3: {  	[sflag:s23] =	ssyncset.done $0x0  }
0xa4: {  	s25 =	simm.s32 $0x1B8E;
	s24 =	sld [smem:$0x3FFE];
	[sflag:s23] =	ssyncadd.s32 $0xFFFFFFFF  }
0xa5: {  	s26 =	simm.s32 $execute0_lowered;
	[smem:$0x3FD2] =	sst s25  }
0xa6: {  	s4 =	sshll.u32 s26, $0x1;
	_ =	strace $0x80000046;
	[dreg:$0x1] =	wrdreg $0xFFFFFFFF  }
0xa7: {  	s28 =	simm.s32 $_size_execute0_lowered;
	s2 =	sadd.s32 s2, s4;
	[dreg:$0x0] =	wrdreg $0x0  }
0xa8: {  	s4 =	sshll.u32 s28, $0x1;
	[dreg:$0x2] =	wrdreg s2  }
0xa9: {  	[dreg:$0x3] =	wrdreg s4  }
0xaa: {  	[dreg:$0x4] =	wrdreg $0xC0  }
0xab: {  	_ =	task [dreg:s6], $0x5FFFF  }
0xac: {  	[dreg:$0x1] =	wrdreg $0xFFFFFFFF  }
0xad: {  	[dreg:$0x0] =	wrdreg $0x60  }
0xae: {  	[dreg:$0x2] =	wrdreg s24  }
0xaf: {  	[dreg:$0x3] =	wrdreg $0x44000  }
0xb0: {  	[dreg:$0x4] =	wrdreg $0x9  }
0xb1: {  	_ =	task.clear_ibuf [dreg:s6], $0x5FFFF;
	_ =	strace $0x90000046  }
0xb2: {  	s29 =	simm.s32 $0x9;
	_ =	strace $0x80000048  }
0xb3: {  	_ =	swait.ge [sflag:s29], $0x1  }
0xb4: {  	[sflag:s29] =	ssyncadd.s32 $0xFFFFFFFF  }
0xb5: {  	_ =	strace $0x90000048  }
0xb6: {  	_ =	sfence  }
0xb7: {  	s30 =	sld [smem:$0x0];
	_ =	sdelay $0x2  }
0xb8: {  	s31 =	sshll.u32 s1, $0xD;
	s1 =	sshrl.u32 s1, $0x2  }
0xb9: {  	s3 =	sand.u32 $0x4000, s31;
	s1 =	sadd.s32 s1, s30  }
0xba: {  	s0 =	sor.u32 s3, s0;
	s1 =	sshll.u32 s1, $0x11  }
0xbb: {  	s0 =	sor.u32 s1, s0  }
0xbc: {  	s0 =	sadd.s32 $0x8F2B, s0  }
0xbd: {  	[sflag:s0] =	ssyncadd.remote.s32 $0x1  }
0xbe: {  	_ =	sfence.sel $0xFFFF  }
0xbf: {  	[dreg:$0x0] =	wrdreg $0xFFFFFFFF;
	(pc) =	sbr.abs _section_cstart, $3  }
0xc0: {  	[dreg:$0x1] =	wrdreg $0xFFFFFFFF  }
0xc1: {  	_ =	task.clear_ibuf [dreg:s6], $0x2FFFF;
	_ =	strace $0x9FFFFFFF  }
0xc2: {  	(tm) =	ssettm $0x7FFFFFFF  }
0xc3: {  	_ =	shalt  }
tec
execute0_lowered:
.L_overlay_start_1:
0x0: {  	(tag) =	ssettag $0x1  }
0x1: {  	s7 =	rddreg [dreg:$0x0]  }
0x2: {  	s2 =	rddreg [dreg:$0x1]  }
0x3: {  	s0 =	rddreg [dreg:$0x2];
	s3 =	simm.s32 $0x0  }
0x4: {  	s1 =	stileid.u32;
	s6 =	srdreg.scid;
	s20 =	simm.s32 $0x0  }
0x5: {  	[smem:$0x7FF] =	sst s3;
	s8 =	smul.u32 $0x18800, s1;
	s4 =	sadd.s32 $0xF8C00, s7  }
0x6: {  	s5 =	sadd.s32 $0x3C00, s7;
	s14 =	sand.u32 $0x1, s6;
	s6 =	sadd.s32 $0x1C400, s7  }
0x7: {  	s30 =	sshll.u32 s1, $0x6;
	_ =	strace $0x80000047;
	s9 =	smul.u32 $0x31000, s14  }
0x8: {  	s10 =	ssub.s32 $0x2, s14;
	v0 =	vmov s14;
	s14 =	simm.s32 $0x400;
	s15 =	sshrl.u32 s8, $0x3  }
0x9: {  	s12 =	sshrl.u32 s10, $0x1;
	s31 =	sadd.s32 s8, s2;
	s8 =	sor.u32 $0x1C01, s30  }
0xa: {  	s11 =	sadd.s32 s15, s7;
	s13 =	sadd.s32 s9, s7;
	s10 =	ssub.s32 s10, s12  }
0xb: {  	s9 =	smul.u32 $0xC400, s1;
	s12 =	simm.s32 $0x1;
	s7 =	sadd.s32 $0x15AC00, s11  }
0xc: {  	s16 =	sadd.s32 $0x18BC00, s13;
	s10 =	smax.u32 s10, $0x1;
	s11 =	sshrl.u32 s31, $0x3  }
0xd: {  	s13 =	simm.s32 $0x200;
	s15 =	sadd.s32 s15, s16;
	s16 =	simm.s32 $0x0  }
.LBB2_1:
0xe: {  	[spmem:s11], [sflag:s8] =	dma.local [hbm:s7], $0x3100  }
0xf: {  	_ =	swait.ge [sflag:s12], $0x3100  }
0x10: {  	[sflag:s12] =	ssyncset.done $0x0  }
0x11: {  	[sflag:s12] =	ssyncadd.s32 $0xFFFFCF00  }
0x12: {  	s17 =	simm.s32 $0x0;
	[bflag:$0x0] =	sbarrier.arrive $0xFFFF  }
.LBB2_2:
0x13: {  	s18 =	sshll.u32 s17, $0x9  }
0x14: {  	s18 =	sadd.s32 s9, s18  }
0x15: {  	s18 =	sshrl.u32 s18, $0x3  }
0x16: {  	s19 =	sadd.s32 s5, s18  }
0x17: {  	[tilespmem:s20], [sflag:$0x1] =	stream.linear.gather [hbm4b:s19+s20], $0x200, $0x38;
	[tilespmem:$0x1CC00] =	vst v63  }
0x18: {  	_ =	swait.ge [sflag:s12], $0x200  }
0x19: {  	[sflag:s12] =	ssyncset.done $0x0  }
0x1a: {  	s18 =	sadd.s32 s6, s18;
	[sflag:s12] =	ssyncadd.s32 $0xFFFFFE00  }
0x1b: {  	[tilespmem:s13], [sflag:$0x1] =	stream.linear.gather [hbm4b:s18+s20], $0x200, $0x38;
	[tilespmem:$0x1CC00] =	vst v63  }
0x1c: {  	_ =	swait.ge [sflag:s12], $0x200  }
0x1d: {  	[sflag:s12] =	ssyncset.done $0x0  }
0x1e: {  	s19 =	simm.s32 $0x40;
	s18 =	simm.s32 $0x0;
	[sflag:s12] =	ssyncadd.s32 $0xFFFFFE00  }
.LBB2_3:
0x1f: {  	p0 =	sne.s32 s19, $0x7C0;
	v1 =	vld [tilespmem:s18+$0x0];
	_ =	sdelay $0x2  }
.Ltmp0:
0x20: {  	(pc) =	sbr.rel @p0 .LBB2_3-.Ltmp0, $4  }
0x21: {  	_ = 	snop  }
0x22: {  	v1 =	vshll.u32 v1, $0x1  }
0x23: {  	v1 =	vor.u32 v0, v1  }
0x24: {  	[tilespmem:s18+$0x0] =	vst v1;
	s18 =	sshra.s32 s19, $0x2;
	s19 =	sadd.s32 $0x40, s19  }
0x25: {  	v1 =	vld [tilespmem:s18+$0x0];
	_ =	sdelay $0x4  }
0x26: {  	v1 =	vshll.u32 v1, $0x1  }
0x27: {  	v1 =	vor.u32 v0, v1  }
0x28: {  	[tilespmem:s18+$0x0] =	vst v1  }
0x29: {  	[tilespmem:s14], [sflag:$0x1] =	stream.indirect.gather [hbm4b:s4+s13], $0x20, s3, s13, $0xb8;
	[tilespmem:$0x1CC00] =	vst v63  }
0x2a: {  	s17 =	sadd.s32 $0x1, s17;
	_ =	swait.ge [sflag:s12], $0x4000  }
0x2b: {  	p0 =	sne.s32 s17, $0x62;
	[sflag:s12] =	ssyncset.done $0x0  }
.Ltmp1:
0x2c: {  	[sflag:s12] =	ssyncadd.s32 $0xFFFFC000;
	(pc) =	sbr.rel @p0 .LBB2_2-.Ltmp1, $4  }
0x2d: {  	[spmem:s2] =	stream.indirect.scatter.add.f32 [tilespmem:s14], [sflag:$0x1], $0x20, s13, s13, $0xb8;
	[tilespmem:$0x1CC00] =	vst v63  }
0x2e: {  	_ =	swait.ge [sflag:s12], $0x4000  }
0x2f: {  	[sflag:s12] =	ssyncset.done $0x0  }
0x30: {  	[sflag:s12] =	ssyncadd.s32 $0xFFFFC000  }
0x31: {  	s16 =	sadd.s32 $0x1, s16  }
0x32: {  	p0 =	sne.s32 s16, s10  }
.Ltmp2:
0x33: {  	[bflag:$0x0] =	sbarrier.arrive $0xFFFF;
	(pc) =	sbr.rel @p0 .LBB2_1-.Ltmp2, $4  }
0x34: {  	[hbm:s15], [sflag:s8] =	dma.local [spmem:s11], $0x3100  }
0x35: {  	_ =	swait.ge [sflag:s12], $0x3100  }
0x36: {  	[sflag:s12] =	ssyncset.done $0x0  }
0x37: {  	[sflag:s12] =	ssyncadd.s32 $0xFFFFCF00  }
0x38: {  	_ =	sfence.sel $0x180000  }
0x39: {  	[bflag:$0x0] =	sbarrier.arrive $0xFFFF  }
0x3a: {  	p0 =	sne.s32 s1, $0x0;
	_ =	strace $0x90000047  }
0x3b: {  	s0 =	sadd.s32 @!p0 $0x100000, s0;
	[bflag:$0x2] =	sbarrier.arrive $0xFFFF  }
0x3c: {  	[sflag:s0] =	ssyncadd.tile.s32 @!p0 $0x1;
	_ =	shalt  }
.Lfunc_end2:
_tile_overlayer_lowered:
.L_overlay_start_2:
0x3d: {  	(tag) =	ssettag $0x2  }
0x3e: {  	s0 =	rddreg [dreg:$0x0];
	s2 =	stileid.u32  }
0x3f: {  	s1 =	rddreg [dreg:$0x1];
	p0 =	sne.s32 s2, $0x0  }
0x40: {  	s3 =	rddreg [dreg:$0x2];
	[bflag:$0x3] =	sbarrier.arrive $0xFFFF;
	s2 =	simm.s32 @!p0 $0x1C01  }
0x41: {  	[timem:s3], [sflag:s2] =	dma.local @!p0 [hbm:s0], s1  }
0x42: {  	s0 =	simm.s32 @!p0 $0x1  }
0x43: {  	_ =	swait.ge @!p0 [sflag:s0], s1  }
0x44: {  	s1 =	ssub.s32 @!p0 $0x0, s1;
	[sflag:s0] =	ssyncset.done @!p0 $0x0  }
0x45: {  	[sflag:s0] =	ssyncadd.s32 @!p0 s1  }
0x46: {  	[bflag:$0x3] =	sbarrier.arrive $0xFFFF  }
0x47: {  	_ =	shalt  }

// kernel: kernel.13.cloned.1.call-start
scs
__scs_entry_jumppad:
0x0: {  	(pc) =	sbr.rel $0x88, $3  }
0x1: {  	(tag) =	ssettag $0x0;
	lr =	simm.s32 $0x1  }
0x2: {  	[smem:$0x3F87] =	sst lr;
	_ =	strace $0xD0000000  }
0x3: {  	_ = 	snop  }
0x4: {  	_ = 	snop  }
0x5: {  	_ = 	snop  }
0x6: {  	_ = 	snop  }
0x7: {  	_ = 	snop  }
__scs_overlays_trampoline_lowered:
0x8: {  	[smem:$0x3F96] =	sst s0  }
0x9: {  	[smem:$0x3F97] =	sst s1  }
0xa: {  	[smem:$0x3F98] =	sst s2  }
0xb: {  	[smem:$0x3F99] =	sst s3  }
0xc: {  	[smem:$0x3F9A] =	sst s4  }
0xd: {  	[smem:$0x3F9B] =	sst s5  }
0xe: {  	[smem:$0x3F9C] =	sst s6  }
0xf: {  	[smem:$0x3F9D] =	sst s7  }
0x10: {  	[smem:$0x3F9E] =	sst s8  }
0x11: {  	[smem:$0x3F9F] =	sst s9;
	s0 =	simm.s32 @!p0 $0x0  }
0x12: {  	s1 =	sld [smem:$0x3F85];
	s0 =	simm.s32 @p0 $0x1  }
0x13: {  	[smem:$0x3FA0] =	sst s0;
	s0 =	simm.s32 @!p1 $0x0  }
0x14: {  	s2 =	sld [smem:$0x3F84];
	s0 =	simm.s32 @p1 $0x1  }
0x15: {  	[smem:$0x3FA1] =	sst s0;
	s0 =	simm.s32 @!p2 $0x0  }
0x16: {  	s3 =	sld [smem:$0x3FDB];
	s0 =	simm.s32 @p2 $0x1  }
0x17: {  	s4 =	simm.s32 $0x1BF5;
	[smem:$0x3FA3] =	sst s0  }
0x18: {  	s0 =	sld [smem:$0x3F86];
	_ =	swait.ge [sflag:s4], $0x0  }
0x19: {  	s7 =	sld [smem:$0x3F87]  }
0x1a: {  	s8 =	sadd.s32 $0xFFFFE003, lr  }
0x1b: {  	s9 =	sadd.s32 $0xFFFFFEF7, lr;
	s5 =	simm.s32 $0xFFFFFFFF;
	p2 =	slt.u32 s8, $0xFFFFF086  }
0x1c: {  	p1 =	slt.u32 s9, $0xF7A;
	s5 =	simm.s32 @!p2 $0x0  }
0x1d: {  	s5 =	simm.s32 @p1 $0x1;
	p0 =	seq.s32 s7, s2  }
0x1e: {  	s7 =	smul.u32 @!p0 $0xF7A, s2;
	p2 =	seq.s32 @!p0 s5, $0x0  }
0x1f: {  	s9 =	smul.u32 $0xF7A, s1;
	s8 =	simm.s32 @!p0 $0x1BF5;
	p2 =	por !p2, p0  }
0x20: {  	[sflag:s8] =	ssyncset.s32 @!p0 $0xFFFFF086;
	s6 =	sadd.s32 @!p0 s3, s7;
	s7 =	simm.s32 @!p0 $0x108  }
0x21: {  	s3 =	sadd.s32 s3, s9;
	s6 =	sadd.s32 @!p0 $0x88, s6;
	s7 =	simm.s32 @p2 $0x1082  }
0x22: {  	[simem:s7], [sflag:s8] =	dma.local @!p0 [hbm:s6], $0xF7A  }
0x23: {  	s9 =	sor.u32 $0xD0000000, s2;
	s6 =	simm.s32 $0x108;
	_ =	swait.ge @!p0 [sflag:s8], $0x0  }
0x24: {  	s3 =	sadd.s32 $0x88, s3;
	s6 =	simm.s32 @!p1 $0x1082;
	[sflag:s4] =	ssyncset.s32 $0xFFFFF086  }
0x25: {  	[simem:s6], [sflag:s4] =	dma.local [hbm:s3], $0xF7A  }
0x26: {  	[smem:$0x3F87] =	sst s1;
	(tag) =	ssettag s2;
	_ =	strace s9  }
0x27: {  	s1 =	sld [smem:$0x3F97]  }
0x28: {  	s2 =	sld [smem:$0x3F98]  }
0x29: {  	s4 =	sld [smem:$0x3F9A]  }
0x2a: {  	p0 =	seq.s32 s5, $0x0;
	s5 =	sld [smem:$0x3F9B]  }
0x2b: {  	s6 =	sld [smem:$0x3F9C]  }
0x2c: {  	s7 =	sld [smem:$0x3F9D]  }
0x2d: {  	s3 =	simm.s32 $0x108;
	s8 =	sld [smem:$0x3F9E]  }
0x2e: {  	s3 =	simm.s32 @!p0 $0x1082;
	s9 =	sld [smem:$0x3F9F]  }
0x2f: {  	lr =	sadd.s32 s0, s3;
	s0 =	sld [smem:$0x3F96]  }
0x30: {  	s3 =	sld [smem:$0x3F99]  }
0x31: {  	[smem:$0x3FA2] =	sst s10  }
0x32: {  	s10 =	sld [smem:$0x3FA0];
	_ =	sdelay $0x3  }
0x33: {  	p0 =	seq.s32 s10, $0x1;
	s10 =	sld [smem:$0x3FA2];
	_ =	sdelay $0x3  }
0x34: {  	[smem:$0x3FA2] =	sst s10  }
0x35: {  	s10 =	sld [smem:$0x3FA1];
	_ =	sdelay $0x3  }
0x36: {  	p1 =	seq.s32 s10, $0x1;
	s10 =	sld [smem:$0x3FA2];
	_ =	sdelay $0x3  }
0x37: {  	[smem:$0x3FA2] =	sst s10  }
0x38: {  	s10 =	sld [smem:$0x3FA3]  }
0x39: {  	_ = 	snop;
	(pc) =	sbr.ind lr, $3  }
0x3a: {  	_ = 	snop  }
0x3b: {  	_ = 	snop  }
0x3c: {  	p2 =	seq.s32 s10, $0x1;
	s10 =	sld [smem:$0x3FA2]  }
0x3d: {  	_ =	shalt  }
0x3e: {  	_ =	shalt  }
0x3f: {  	_ =	shalt  }
0x40: {  	_ =	shalt  }
0x41: {  	_ =	shalt  }
0x42: {  	_ =	shalt  }
0x43: {  	_ =	shalt  }
0x44: {  	_ =	shalt  }
0x45: {  	_ =	shalt  }
0x46: {  	_ =	shalt  }
0x47: {  	_ =	shalt  }
0x48: {  	_ =	shalt  }
0x49: {  	_ =	shalt  }
0x4a: {  	_ =	shalt  }
0x4b: {  	_ =	shalt  }
0x4c: {  	_ =	shalt  }
0x4d: {  	_ =	shalt  }
0x4e: {  	_ =	shalt  }
0x4f: {  	_ =	shalt  }
0x50: {  	_ =	shalt  }
0x51: {  	_ =	shalt  }
0x52: {  	_ =	shalt  }
0x53: {  	_ =	shalt  }
0x54: {  	_ =	shalt  }
0x55: {  	_ =	shalt  }
0x56: {  	_ =	shalt  }
0x57: {  	_ =	shalt  }
0x58: {  	_ =	shalt  }
0x59: {  	_ =	shalt  }
0x5a: {  	_ =	shalt  }
0x5b: {  	_ =	shalt  }
0x5c: {  	_ =	shalt  }
0x5d: {  	_ =	shalt  }
0x5e: {  	_ =	shalt  }
0x5f: {  	_ =	shalt  }
0x60: {  	_ =	shalt  }
0x61: {  	_ =	shalt  }
0x62: {  	_ =	shalt  }
0x63: {  	_ =	shalt  }
0x64: {  	_ =	shalt  }
0x65: {  	_ =	shalt  }
0x66: {  	_ =	shalt  }
0x67: {  	_ =	shalt  }
0x68: {  	_ =	shalt  }
0x69: {  	_ =	shalt  }
0x6a: {  	_ =	shalt  }
0x6b: {  	_ =	shalt  }
0x6c: {  	_ =	shalt  }
0x6d: {  	_ =	shalt  }
0x6e: {  	_ =	shalt  }
0x6f: {  	_ =	shalt  }
0x70: {  	_ =	shalt  }
0x71: {  	_ =	shalt  }
0x72: {  	_ =	shalt  }
0x73: {  	_ =	shalt  }
0x74: {  	_ =	shalt  }
0x75: {  	_ =	shalt  }
0x76: {  	_ =	shalt  }
0x77: {  	_ =	shalt  }
0x78: {  	_ =	shalt  }
0x79: {  	_ =	shalt  }
0x7a: {  	_ =	shalt  }
0x7b: {  	_ =	shalt  }
0x7c: {  	_ =	shalt  }
0x7d: {  	_ =	shalt  }
0x7e: {  	_ =	shalt  }
0x7f: {  	_ =	shalt  }
0x80: {  	_ =	shalt  }
0x81: {  	_ =	shalt  }
0x82: {  	_ =	shalt  }
0x83: {  	_ =	shalt  }
0x84: {  	_ =	shalt  }
0x85: {  	_ =	shalt  }
0x86: {  	_ =	shalt  }
0x87: {  	_ =	shalt  }
.Lfunc_end0:
.L_simem_size_0:
called_computation.1_lowered:
.L_overlay_start_0:
0x88: {  	s2 =	sld [smem:$0x3FD9]  }
0x89: {  	s3 =	sld [smem:$0x3FFE];
	_ =	sdelay $0x1  }
0x8a: {  	s1 =	srdreg.scid  }
0x8b: {  	s0 =	sand.u32 $0x1, s1  }
0x8c: {  	s16 =	sshll.u32 s0, $0xA;
	s2 =	sadd.s32 s3, s2  }
0x8d: {  	s2 =	sadd.s32 s2, s16  }
0x8e: {  	[smem:$0x3FAE] =	sst s2  }
0x8f: {  	_ = 	snop  }
0x90: {  	(tm) =	ssettm $0x1  }
0x91: {  	s17 =	sld [smem:$0x3FFB];
	_ =	sdelay $0x3  }
0x92: {  	_ =	strace s17  }
0x93: {  	s2 =	sld [smem:$0x3FFC];
	_ =	sdelay $0x3  }
0x94: {  	_ =	strace s2  }
0x95: {  	s2 =	sld [smem:$0x3FFD];
	_ =	sdelay $0x3  }
0x96: {  	_ =	strace s2  }
0x97: {  	_ =	strace $0x8FFFFFFF  }
0x98: {  	s18 =	sld [smem:$0x3FDB];
	_ =	sdelay $0x1  }
0x99: {  	s19 =	simm.s32 $_scs_section_size  }
0x9a: {  	s4 =	simm.s32 $_size__tile_overlayer_lowered;
	s5 =	simm.s32 $_tile_overlayer_lowered  }
0x9b: {  	s22 =	simm.s32 $0x1BFF;
	s21 =	sshll.u32 s5, $0x1;
	s2 =	sadd.s32 s19, s18  }
0x9c: {  	s6 =	simm.s32 $0x0;
	s20 =	sshll.u32 s4, $0x1;
	s4 =	sadd.s32 s21, s2  }
0x9d: {  	[timem:s6], [sflag:s22] =	dma.local [hbm:s4], s20  }
0x9e: {  	_ =	swait.ge [sflag:s22], s20  }
0x9f: {  	s3 =	ssub.s32 $0x0, s20;
	[sflag:s22] =	ssyncset.done $0x0  }
0xa0: {  	[sflag:s22] =	ssyncadd.s32 s3;
	_ =	sdelay $0x1  }
0xa1: {  	s23 =	simm.s32 $0x1B8B  }
0xa2: {  	_ =	swait.ge [sflag:s23], $0x1  }
0xa3: {  	[sflag:s23] =	ssyncset.done $0x0  }
0xa4: {  	s25 =	simm.s32 $0x1B8E;
	s24 =	sld [smem:$0x3FFE];
	[sflag:s23] =	ssyncadd.s32 $0xFFFFFFFF  }
0xa5: {  	s26 =	simm.s32 $execute0_lowered;
	[smem:$0x3FD2] =	sst s25  }
0xa6: {  	s4 =	sshll.u32 s26, $0x1;
	_ =	strace $0x80000049;
	[dreg:$0x1] =	wrdreg $0xFFFFFFFF  }
0xa7: {  	s28 =	simm.s32 $_size_execute0_lowered;
	s2 =	sadd.s32 s2, s4;
	[dreg:$0x0] =	wrdreg $0x0  }
0xa8: {  	s4 =	sshll.u32 s28, $0x1;
	[dreg:$0x2] =	wrdreg s2  }
0xa9: {  	[dreg:$0x3] =	wrdreg s4  }
0xaa: {  	[dreg:$0x4] =	wrdreg $0xC0  }
0xab: {  	_ =	task [dreg:s6], $0x5FFFF  }
0xac: {  	[dreg:$0x1] =	wrdreg $0xFFFFFFFF  }
0xad: {  	[dreg:$0x0] =	wrdreg $0x60  }
0xae: {  	[dreg:$0x2] =	wrdreg s24  }
0xaf: {  	[dreg:$0x3] =	wrdreg $0x44000  }
0xb0: {  	[dreg:$0x4] =	wrdreg $0x9  }
0xb1: {  	_ =	task.clear_ibuf [dreg:s6], $0x5FFFF;
	_ =	strace $0x90000049  }
0xb2: {  	s29 =	simm.s32 $0x9;
	_ =	strace $0x8000004B  }
0xb3: {  	_ =	swait.ge [sflag:s29], $0x1  }
0xb4: {  	[sflag:s29] =	ssyncadd.s32 $0xFFFFFFFF  }
0xb5: {  	_ =	strace $0x9000004B  }
0xb6: {  	_ =	sfence  }
0xb7: {  	s30 =	sld [smem:$0x0];
	_ =	sdelay $0x2  }
0xb8: {  	s31 =	sshll.u32 s1, $0xD;
	s1 =	sshrl.u32 s1, $0x2  }
0xb9: {  	s3 =	sand.u32 $0x4000, s31;
	s1 =	sadd.s32 s1, s30  }
0xba: {  	s0 =	sor.u32 s3, s0;
	s1 =	sshll.u32 s1, $0x11  }
0xbb: {  	s0 =	sor.u32 s1, s0  }
0xbc: {  	s0 =	sadd.s32 $0x8F2B, s0  }
0xbd: {  	[sflag:s0] =	ssyncadd.remote.s32 $0x1  }
0xbe: {  	_ =	sfence.sel $0xFFFF  }
0xbf: {  	[dreg:$0x0] =	wrdreg $0xFFFFFFFF;
	(pc) =	sbr.abs _section_cstart, $3  }
0xc0: {  	[dreg:$0x1] =	wrdreg $0xFFFFFFFF  }
0xc1: {  	_ =	task.clear_ibuf [dreg:s6], $0x2FFFF;
	_ =	strace $0x9FFFFFFF  }
0xc2: {  	(tm) =	ssettm $0x7FFFFFFF  }
0xc3: {  	_ =	shalt  }
tec
execute0_lowered:
.L_overlay_start_1:
0x0: {  	(tag) =	ssettag $0x1  }
0x1: {  	s7 =	rddreg [dreg:$0x0]  }
0x2: {  	s2 =	rddreg [dreg:$0x1]  }
0x3: {  	s0 =	rddreg [dreg:$0x2];
	s3 =	simm.s32 $0x0  }
0x4: {  	s1 =	stileid.u32;
	s6 =	srdreg.scid;
	s20 =	simm.s32 $0x0  }
0x5: {  	[smem:$0x7FF] =	sst s3;
	s8 =	smul.u32 $0x18800, s1;
	s4 =	sadd.s32 $0x18BC00, s7  }
0x6: {  	s5 =	sadd.s32 $0x3C00, s7;
	s14 =	sand.u32 $0x1, s6;
	s6 =	sadd.s32 $0x1C400, s7  }
0x7: {  	s30 =	sshll.u32 s1, $0x6;
	_ =	strace $0x8000004A;
	s9 =	smul.u32 $0x31000, s14  }
0x8: {  	s10 =	ssub.s32 $0x2, s14;
	v0 =	vmov s14;
	s14 =	simm.s32 $0x400;
	s15 =	sshrl.u32 s8, $0x3  }
0x9: {  	s12 =	sshrl.u32 s10, $0x1;
	s31 =	sadd.s32 s8, s2;
	s8 =	sor.u32 $0x1C01, s30  }
0xa: {  	s11 =	sadd.s32 s15, s7;
	s13 =	sadd.s32 s9, s7;
	s10 =	ssub.s32 s10, s12  }
0xb: {  	s9 =	smul.u32 $0xC400, s1;
	s12 =	simm.s32 $0x1;
	s7 =	sadd.s32 $0x15AC00, s11  }
0xc: {  	s16 =	sadd.s32 $0x1EDC00, s13;
	s10 =	smax.u32 s10, $0x1;
	s11 =	sshrl.u32 s31, $0x3  }
0xd: {  	s13 =	simm.s32 $0x200;
	s15 =	sadd.s32 s15, s16;
	s16 =	simm.s32 $0x0  }
.LBB2_1:
0xe: {  	[spmem:s11], [sflag:s8] =	dma.local [hbm:s7], $0x3100  }
0xf: {  	_ =	swait.ge [sflag:s12], $0x3100  }
0x10: {  	[sflag:s12] =	ssyncset.done $0x0  }
0x11: {  	[sflag:s12] =	ssyncadd.s32 $0xFFFFCF00  }
0x12: {  	s17 =	simm.s32 $0x0;
	[bflag:$0x0] =	sbarrier.arrive $0xFFFF  }
.LBB2_2:
0x13: {  	s18 =	sshll.u32 s17, $0x9  }
0x14: {  	s18 =	sadd.s32 s9, s18  }
0x15: {  	s18 =	sshrl.u32 s18, $0x3  }
0x16: {  	s19 =	sadd.s32 s5, s18  }
0x17: {  	[tilespmem:s20], [sflag:$0x1] =	stream.linear.gather [hbm4b:s19+s20], $0x200, $0x38;
	[tilespmem:$0x1CC00] =	vst v63  }
0x18: {  	_ =	swait.ge [sflag:s12], $0x200  }
0x19: {  	[sflag:s12] =	ssyncset.done $0x0  }
0x1a: {  	s18 =	sadd.s32 s6, s18;
	[sflag:s12] =	ssyncadd.s32 $0xFFFFFE00  }
0x1b: {  	[tilespmem:s13], [sflag:$0x1] =	stream.linear.gather [hbm4b:s18+s20], $0x200, $0x38;
	[tilespmem:$0x1CC00] =	vst v63  }
0x1c: {  	_ =	swait.ge [sflag:s12], $0x200  }
0x1d: {  	[sflag:s12] =	ssyncset.done $0x0  }
0x1e: {  	s19 =	simm.s32 $0x40;
	s18 =	simm.s32 $0x0;
	[sflag:s12] =	ssyncadd.s32 $0xFFFFFE00  }
.LBB2_3:
0x1f: {  	p0 =	sne.s32 s19, $0x7C0;
	v1 =	vld [tilespmem:s18+$0x0];
	_ =	sdelay $0x2  }
.Ltmp0:
0x20: {  	(pc) =	sbr.rel @p0 .LBB2_3-.Ltmp0, $4  }
0x21: {  	_ = 	snop  }
0x22: {  	v1 =	vshll.u32 v1, $0x1  }
0x23: {  	v1 =	vor.u32 v0, v1  }
0x24: {  	[tilespmem:s18+$0x0] =	vst v1;
	s18 =	sshra.s32 s19, $0x2;
	s19 =	sadd.s32 $0x40, s19  }
0x25: {  	v1 =	vld [tilespmem:s18+$0x0];
	_ =	sdelay $0x4  }
0x26: {  	v1 =	vshll.u32 v1, $0x1  }
0x27: {  	v1 =	vor.u32 v0, v1  }
0x28: {  	[tilespmem:s18+$0x0] =	vst v1  }
0x29: {  	[tilespmem:s14], [sflag:$0x1] =	stream.indirect.gather [hbm4b:s4+s13], $0x20, s3, s13, $0xb8;
	[tilespmem:$0x1CC00] =	vst v63  }
0x2a: {  	s17 =	sadd.s32 $0x1, s17;
	_ =	swait.ge [sflag:s12], $0x4000  }
0x2b: {  	p0 =	sne.s32 s17, $0x62;
	[sflag:s12] =	ssyncset.done $0x0  }
.Ltmp1:
0x2c: {  	[sflag:s12] =	ssyncadd.s32 $0xFFFFC000;
	(pc) =	sbr.rel @p0 .LBB2_2-.Ltmp1, $4  }
0x2d: {  	[spmem:s2] =	stream.indirect.scatter.add.f32 [tilespmem:s14], [sflag:$0x1], $0x20, s13, s13, $0xb8;
	[tilespmem:$0x1CC00] =	vst v63  }
0x2e: {  	_ =	swait.ge [sflag:s12], $0x4000  }
0x2f: {  	[sflag:s12] =	ssyncset.done $0x0  }
0x30: {  	[sflag:s12] =	ssyncadd.s32 $0xFFFFC000  }
0x31: {  	s16 =	sadd.s32 $0x1, s16  }
0x32: {  	p0 =	sne.s32 s16, s10  }
.Ltmp2:
0x33: {  	[bflag:$0x0] =	sbarrier.arrive $0xFFFF;
	(pc) =	sbr.rel @p0 .LBB2_1-.Ltmp2, $4  }
0x34: {  	[hbm:s15], [sflag:s8] =	dma.local [spmem:s11], $0x3100  }
0x35: {  	_ =	swait.ge [sflag:s12], $0x3100  }
0x36: {  	[sflag:s12] =	ssyncset.done $0x0  }
0x37: {  	[sflag:s12] =	ssyncadd.s32 $0xFFFFCF00  }
0x38: {  	_ =	sfence.sel $0x180000  }
0x39: {  	[bflag:$0x0] =	sbarrier.arrive $0xFFFF  }
0x3a: {  	p0 =	sne.s32 s1, $0x0;
	_ =	strace $0x9000004A  }
0x3b: {  	s0 =	sadd.s32 @!p0 $0x100000, s0;
	[bflag:$0x2] =	sbarrier.arrive $0xFFFF  }
0x3c: {  	[sflag:s0] =	ssyncadd.tile.s32 @!p0 $0x1;
	_ =	shalt  }
.Lfunc_end2:
_tile_overlayer_lowered:
.L_overlay_start_2:
0x3d: {  	(tag) =	ssettag $0x2  }
0x3e: {  	s0 =	rddreg [dreg:$0x0];
	s2 =	stileid.u32  }
0x3f: {  	s1 =	rddreg [dreg:$0x1];
	p0 =	sne.s32 s2, $0x0  }
0x40: {  	s3 =	rddreg [dreg:$0x2];
	[bflag:$0x3] =	sbarrier.arrive $0xFFFF;
	s2 =	simm.s32 @!p0 $0x1C01  }
0x41: {  	[timem:s3], [sflag:s2] =	dma.local @!p0 [hbm:s0], s1  }
0x42: {  	s0 =	simm.s32 @!p0 $0x1  }
0x43: {  	_ =	swait.ge @!p0 [sflag:s0], s1  }
0x44: {  	s1 =	ssub.s32 @!p0 $0x0, s1;
	[sflag:s0] =	ssyncset.done @!p0 $0x0  }
0x45: {  	[sflag:s0] =	ssyncadd.s32 @!p0 s1  }
0x46: {  	[bflag:$0x3] =	sbarrier.arrive $0xFFFF  }
0x47: {  	_ =	shalt  }

</sc_bundles>
